<compile_context>
chip_gen: v7x
topology: tpu7x:2x2x1
jax: 0.10.2.dev20260603
libtpu: 0.0.44.dev20260713+nightly
codegen_flags: <defaults>
</compile_context>

<pallas_src>
import functools

import jax
import jax.numpy as jnp
from jax import lax
from jax.experimental import pallas as pl
from jax.experimental.pallas import tpu as pltpu
from jax.experimental.pallas import tpu_sc as plsc

NUM_CORES = 2
NUM_SUBCORES = 16
LANES = 16

WINDOWS = 4096
TOPK = 2
D = 1024
EXPERTS = 8
ROWS = WINDOWS * TOPK
OUT_ROWS = EXPERTS * WINDOWS

WIN_PER_TILE = WINDOWS // (NUM_CORES * NUM_SUBCORES)
ROWS_PER_TILE = WIN_PER_TILE * TOPK
CHUNK = 16
N_CHUNKS = ROWS_PER_TILE // CHUNK
NBUF = 6
ZFIRES = WIN_PER_TILE * (EXPERTS - TOPK)


def _dispatch_body(x_hbm, idx_hbm, out_hbm,
                   xbuf0, xbuf1, xbuf2, xbuf3, xbuf4, xbuf5, idxv, zrow,
                   dst0, dst1, dst2, dst3, dst4, dst5, dst6, dst7,
                   dst8, dst9, dst10, dst11, dst12, dst13, dst14, dst15,
                   zsem, gsem0, gsem1, gsem2, gsem3, gsem4, gsem5,
                   ssem0, ssem1, ssem2, ssem3, ssem4, ssem5):
    c = lax.axis_index("c")
    s = lax.axis_index("s")
    w0 = (c * NUM_SUBCORES + s) * WIN_PER_TILE
    row0 = w0 * TOPK

    bufs = (xbuf0, xbuf1, xbuf2, xbuf3, xbuf4, xbuf5)
    gsems = (gsem0, gsem1, gsem2, gsem3, gsem4, gsem5)
    ssems = (ssem0, ssem1, ssem2, ssem3, ssem4, ssem5)
    dsts = (dst0, dst1, dst2, dst3, dst4, dst5, dst6, dst7,
            dst8, dst9, dst10, dst11, dst12, dst13, dst14, dst15)

    g = [None] * NBUF
    for k in range(NBUF - 1):
        g[k] = pltpu.async_copy(
            x_hbm.at[pl.ds(row0 + k * CHUNK, CHUNK)], bufs[k], gsems[k])
    pltpu.sync_copy(idx_hbm.at[pl.ds(row0, ROWS_PER_TILE)],
                    idxv.at[pl.ds(0, ROWS_PER_TILE)])

    lane = lax.iota(jnp.int32, 16)
    for k in range(N_CHUNKS):
        for i in range(CHUNK // LANES):
            r = row0 + k * CHUNK + i * LANES + lane
            e = idxv[pl.ds(k * CHUNK + i * LANES, LANES)]
            dsts[k][pl.ds(i * LANES, LANES)] = e * WINDOWS + (r >> 1)

    zero16 = jnp.zeros((LANES,), jnp.float32)

    @pl.loop(0, D // LANES)
    def _zseg(i):
        zrow[0, pl.ds(i * LANES, LANES)] = zero16

    for e in range(EXPERTS):
        @pl.loop(0, WIN_PER_TILE)
        def _win(w, e=e):
            pair = idxv[pl.ds(TOPK * w, LANES)]
            s0 = pair[0]
            s1 = pair[1]

            @pl.when(jnp.logical_and(s0 != e, s1 != e))
            def _fire(e=e, w=w):
                pltpu.async_copy(
                    zrow, out_hbm.at[pl.ds(e * WINDOWS + w0 + w, 1)], zsem)

    scat = [None] * NBUF
    for k in range(N_CHUNKS):
        q = k % NBUF
        g[q].wait()
        scat[q] = pltpu.async_copy(bufs[q], out_hbm.at[dsts[k]], ssems[q])
        nk = k + NBUF - 1
        if nk < N_CHUNKS:
            q2 = nk % NBUF
            if scat[q2] is not None:
                scat[q2].wait()
            g[q2] = pltpu.async_copy(
                x_hbm.at[pl.ds(row0 + nk * CHUNK, CHUNK)], bufs[q2], gsems[q2])

    for h in scat:
        if h is not None:
            h.wait()

    @pl.loop(0, ZFIRES // CHUNK)
    def _drain(i):
        pltpu.make_async_copy(
            out_hbm.at[pl.ds(0, CHUNK)], xbuf0, zsem).wait()


_dispatch = functools.partial(
    pl.kernel,
    out_type=jax.ShapeDtypeStruct((OUT_ROWS, D), jnp.float32),
    mesh=plsc.VectorSubcoreMesh(
        core_axis_name="c", subcore_axis_name="s",
        num_cores=NUM_CORES, num_subcores=NUM_SUBCORES),
    scratch_types=[
        pltpu.VMEM((CHUNK, D), jnp.float32),
        pltpu.VMEM((CHUNK, D), jnp.float32),
        pltpu.VMEM((CHUNK, D), jnp.float32),
        pltpu.VMEM((CHUNK, D), jnp.float32),
        pltpu.VMEM((CHUNK, D), jnp.float32),
        pltpu.VMEM((CHUNK, D), jnp.float32),
        pltpu.VMEM((ROWS_PER_TILE + LANES,), jnp.int32),
        pltpu.VMEM((1, D), jnp.float32),
        pltpu.VMEM((CHUNK,), jnp.int32),
        pltpu.VMEM((CHUNK,), jnp.int32),
        pltpu.VMEM((CHUNK,), jnp.int32),
        pltpu.VMEM((CHUNK,), jnp.int32),
        pltpu.VMEM((CHUNK,), jnp.int32),
        pltpu.VMEM((CHUNK,), jnp.int32),
        pltpu.VMEM((CHUNK,), jnp.int32),
        pltpu.VMEM((CHUNK,), jnp.int32),
        pltpu.VMEM((CHUNK,), jnp.int32),
        pltpu.VMEM((CHUNK,), jnp.int32),
        pltpu.VMEM((CHUNK,), jnp.int32),
        pltpu.VMEM((CHUNK,), jnp.int32),
        pltpu.VMEM((CHUNK,), jnp.int32),
        pltpu.VMEM((CHUNK,), jnp.int32),
        pltpu.VMEM((CHUNK,), jnp.int32),
        pltpu.VMEM((CHUNK,), jnp.int32),
        pltpu.SemaphoreType.DMA,
        pltpu.SemaphoreType.DMA,
        pltpu.SemaphoreType.DMA,
        pltpu.SemaphoreType.DMA,
        pltpu.SemaphoreType.DMA,
        pltpu.SemaphoreType.DMA,
        pltpu.SemaphoreType.DMA,
        pltpu.SemaphoreType.DMA,
        pltpu.SemaphoreType.DMA,
        pltpu.SemaphoreType.DMA,
        pltpu.SemaphoreType.DMA,
        pltpu.SemaphoreType.DMA,
        pltpu.SemaphoreType.DMA,
    ],
)(_dispatch_body)


def kernel(isp_per_win, expert_indices, num_experts):
    batches, windows, k, embed_dim = isp_per_win.shape
    num_windows = batches * windows
    x = isp_per_win.reshape(num_windows * k, embed_dim)
    idx = expert_indices.reshape(-1)
    out = _dispatch(x, idx)
    return out.reshape(EXPERTS, num_windows, embed_dim)

# --- scband reference (transcript-rebuilt; emitter-appended) ---
"""Pipeline reference for scband-ispparameter-generator-23708219474113 (READ-ONLY COPY).

The authoritative reference and input builder live on the scoring server;
editing this copy changes nothing except your own understanding.
"""

import jax, jax.numpy as jnp
import numpy as np

BATCHES = 2
WINDOWS = 2048
TOPK = 2
EMBED_DIM = 1024
NUM_EXPERTS = 8


def setup_inputs(seed: int = 0) -> dict:
    key = jax.random.key(seed)
    k1, k2 = jax.random.split(key)
    isp_per_win = jax.random.normal(k1, (BATCHES, WINDOWS, TOPK, EMBED_DIM), dtype=jnp.float32)
    num_windows = BATCHES * WINDOWS
    # Router-like distinct top-k expert indices per window (avoids duplicate
    # (expert, window) scatter targets, matching real MoE routing semantics).
    scores = jax.random.uniform(k2, (num_windows, NUM_EXPERTS))
    _, idx = jax.lax.top_k(scores, TOPK)
    expert_indices = idx.astype(jnp.int32)
    return {
        "isp_per_win": isp_per_win,
        "expert_indices": expert_indices,
        "num_experts": NUM_EXPERTS,
    }


def reference(isp_per_win, expert_indices, num_experts):
    batches, windows, k, embed_dim = isp_per_win.shape
    num_windows = batches * windows
    x = isp_per_win.reshape(num_windows, k, embed_dim)
    win_indices = jnp.broadcast_to(jnp.arange(num_windows)[:, None], (num_windows, k))
    k_indices = jnp.broadcast_to(jnp.arange(k)[None, :], (num_windows, k))
    flat_expert = expert_indices.reshape(-1)
    flat_win = win_indices.reshape(-1)
    flat_k = k_indices.reshape(-1)
    # Gather the per-window, per-slot embeddings
    flat_embeddings = x[flat_win, flat_k]
    # Scatter-overwrite into [num_experts, num_windows, embed_dim].
    # mode='drop' replicates the valid_mask filtering of out-of-range /
    # negative expert indices in the original torch code.
    expert_embeddings = (
        jnp.zeros((NUM_EXPERTS, num_windows, embed_dim), dtype=isp_per_win.dtype)
        * num_experts
    ).astype(isp_per_win.dtype)
    expert_embeddings = expert_embeddings.at[flat_expert, flat_win].set(flat_embeddings, mode="drop")
    return expert_embeddings

if __name__ == "__main__":
    import jax
    _d = setup_inputs()
    print(jax.jit(kernel)(*tuple(_d.values())))

</pallas_src>

<mosaic_0001>
#map = affine_map<(d0, d1) -> (0, 0)>
#map1 = affine_map<(d0, d1) -> (0)>
module attributes {stable_mosaic.version = 14 : i64} {
  func.func @_dispatch_body(%arg0: i32, %arg1: i32, %arg2: memref<8192x1024xf32, #tpu.memory_space<hbm>>, %arg3: memref<8192xi32, #tpu.memory_space<hbm>>, %arg4: memref<32768x1024xf32, #tpu.memory_space<hbm>>, %arg5: memref<16x1024xf32, #tpu.memory_space<vmem>>, %arg6: memref<16x1024xf32, #tpu.memory_space<vmem>>, %arg7: memref<16x1024xf32, #tpu.memory_space<vmem>>, %arg8: memref<16x1024xf32, #tpu.memory_space<vmem>>, %arg9: memref<16x1024xf32, #tpu.memory_space<vmem>>, %arg10: memref<16x1024xf32, #tpu.memory_space<vmem>>, %arg11: memref<272xi32, #tpu.memory_space<vmem>>, %arg12: memref<1x1024xf32, #tpu.memory_space<vmem>>, %arg13: memref<16xi32, #tpu.memory_space<vmem>>, %arg14: memref<16xi32, #tpu.memory_space<vmem>>, %arg15: memref<16xi32, #tpu.memory_space<vmem>>, %arg16: memref<16xi32, #tpu.memory_space<vmem>>, %arg17: memref<16xi32, #tpu.memory_space<vmem>>, %arg18: memref<16xi32, #tpu.memory_space<vmem>>, %arg19: memref<16xi32, #tpu.memory_space<vmem>>, %arg20: memref<16xi32, #tpu.memory_space<vmem>>, %arg21: memref<16xi32, #tpu.memory_space<vmem>>, %arg22: memref<16xi32, #tpu.memory_space<vmem>>, %arg23: memref<16xi32, #tpu.memory_space<vmem>>, %arg24: memref<16xi32, #tpu.memory_space<vmem>>, %arg25: memref<16xi32, #tpu.memory_space<vmem>>, %arg26: memref<16xi32, #tpu.memory_space<vmem>>, %arg27: memref<16xi32, #tpu.memory_space<vmem>>, %arg28: memref<16xi32, #tpu.memory_space<vmem>>, %arg29: memref<!tpu.dma_semaphore, #tpu.memory_space<semaphore_mem>>, %arg30: memref<!tpu.dma_semaphore, #tpu.memory_space<semaphore_mem>>, %arg31: memref<!tpu.dma_semaphore, #tpu.memory_space<semaphore_mem>>, %arg32: memref<!tpu.dma_semaphore, #tpu.memory_space<semaphore_mem>>, %arg33: memref<!tpu.dma_semaphore, #tpu.memory_space<semaphore_mem>>, %arg34: memref<!tpu.dma_semaphore, #tpu.memory_space<semaphore_mem>>, %arg35: memref<!tpu.dma_semaphore, #tpu.memory_space<semaphore_mem>>, %arg36: memref<!tpu.dma_semaphore, #tpu.memory_space<semaphore_mem>>, %arg37: memref<!tpu.dma_semaphore, #tpu.memory_space<semaphore_mem>>, %arg38: memref<!tpu.dma_semaphore, #tpu.memory_space<semaphore_mem>>, %arg39: memref<!tpu.dma_semaphore, #tpu.memory_space<semaphore_mem>>, %arg40: memref<!tpu.dma_semaphore, #tpu.memory_space<semaphore_mem>>, %arg41: memref<!tpu.dma_semaphore, #tpu.memory_space<semaphore_mem>>) attributes {dimension_semantics = [#tpu.dimension_semantics<core_parallel>, #tpu.dimension_semantics<subcore_parallel>], iteration_bounds = array<i64: 2, 16>, scalar_prefetch = 0 : i64, scratch_operands = 37 : i64, tpu.core_type = #tpu.core_type<sc_vector_subcore>, window_params = [{transform_indices = #map}, {transform_indices = #map1}, {transform_indices = #map}]} {
    %mul3A = arith.constant 16 : i32
    %mul3A_0 = arith.muli %arg0, %mul3A : i32
    %add3A = arith.addi %mul3A_0, %arg1 : i32
    %mul3A_1 = arith.constant 128 : i32
    %mul3A_2 = arith.muli %add3A, %mul3A_1 : i32
    %mul3A_3 = arith.constant 2 : i32
    %mul3A_4 = arith.muli %mul3A_2, %mul3A_3 : i32
    %add3A_5 = arith.constant 0 : i32
    %add3A_6 = arith.addi %mul3A_4, %add3A_5 : i32
    %dma_start3A = arith.constant 0 : i32
    %dma_start3A_7 = tpu.memref_slice %arg2[%add3A_6, %dma_start3A] : memref<8192x1024xf32, #tpu.memory_space<hbm>> -> memref<16x1024xf32, #tpu.memory_space<hbm>>
    %dma_start3A_8 = arith.constant 0 : i32
    %dma_start3A_9 = tpu.memref_slice %arg2[%add3A_6, %dma_start3A_8] : memref<8192x1024xf32, #tpu.memory_space<hbm>> -> memref<16x1024xf32, #tpu.memory_space<hbm>>
    tpu.enqueue_dma source(%dma_start3A_9 : memref<16x1024xf32, #tpu.memory_space<hbm>>) target(%arg5 : memref<16x1024xf32, #tpu.memory_space<vmem>>) target_semaphore(%arg30 : memref<!tpu.dma_semaphore, #tpu.memory_space<semaphore_mem>>)
    %add3A_10 = arith.constant 16 : i32
    %add3A_11 = arith.addi %mul3A_4, %add3A_10 : i32
    %dma_start3A_12 = arith.constant 0 : i32
    %dma_start3A_13 = tpu.memref_slice %arg2[%add3A_11, %dma_start3A_12] : memref<8192x1024xf32, #tpu.memory_space<hbm>> -> memref<16x1024xf32, #tpu.memory_space<hbm>>
    %dma_start3A_14 = arith.constant 0 : i32
    %dma_start3A_15 = tpu.memref_slice %arg2[%add3A_11, %dma_start3A_14] : memref<8192x1024xf32, #tpu.memory_space<hbm>> -> memref<16x1024xf32, #tpu.memory_space<hbm>>
    tpu.enqueue_dma source(%dma_start3A_15 : memref<16x1024xf32, #tpu.memory_space<hbm>>) target(%arg6 : memref<16x1024xf32, #tpu.memory_space<vmem>>) target_semaphore(%arg31 : memref<!tpu.dma_semaphore, #tpu.memory_space<semaphore_mem>>)
    %add3A_16 = arith.constant 32 : i32
    %add3A_17 = arith.addi %mul3A_4, %add3A_16 : i32
    %dma_start3A_18 = arith.constant 0 : i32
    %dma_start3A_19 = tpu.memref_slice %arg2[%add3A_17, %dma_start3A_18] : memref<8192x1024xf32, #tpu.memory_space<hbm>> -> memref<16x1024xf32, #tpu.memory_space<hbm>>
    %dma_start3A_20 = arith.constant 0 : i32
    %dma_start3A_21 = tpu.memref_slice %arg2[%add3A_17, %dma_start3A_20] : memref<8192x1024xf32, #tpu.memory_space<hbm>> -> memref<16x1024xf32, #tpu.memory_space<hbm>>
    tpu.enqueue_dma source(%dma_start3A_21 : memref<16x1024xf32, #tpu.memory_space<hbm>>) target(%arg7 : memref<16x1024xf32, #tpu.memory_space<vmem>>) target_semaphore(%arg32 : memref<!tpu.dma_semaphore, #tpu.memory_space<semaphore_mem>>)
    %add3A_22 = arith.constant 48 : i32
    %add3A_23 = arith.addi %mul3A_4, %add3A_22 : i32
    %dma_start3A_24 = arith.constant 0 : i32
    %dma_start3A_25 = tpu.memref_slice %arg2[%add3A_23, %dma_start3A_24] : memref<8192x1024xf32, #tpu.memory_space<hbm>> -> memref<16x1024xf32, #tpu.memory_space<hbm>>
    %dma_start3A_26 = arith.constant 0 : i32
    %dma_start3A_27 = tpu.memref_slice %arg2[%add3A_23, %dma_start3A_26] : memref<8192x1024xf32, #tpu.memory_space<hbm>> -> memref<16x1024xf32, #tpu.memory_space<hbm>>
    tpu.enqueue_dma source(%dma_start3A_27 : memref<16x1024xf32, #tpu.memory_space<hbm>>) target(%arg8 : memref<16x1024xf32, #tpu.memory_space<vmem>>) target_semaphore(%arg33 : memref<!tpu.dma_semaphore, #tpu.memory_space<semaphore_mem>>)
    %add3A_28 = arith.constant 64 : i32
    %add3A_29 = arith.addi %mul3A_4, %add3A_28 : i32
    %dma_start3A_30 = arith.constant 0 : i32
    %dma_start3A_31 = tpu.memref_slice %arg2[%add3A_29, %dma_start3A_30] : memref<8192x1024xf32, #tpu.memory_space<hbm>> -> memref<16x1024xf32, #tpu.memory_space<hbm>>
    %dma_start3A_32 = arith.constant 0 : i32
    %dma_start3A_33 = tpu.memref_slice %arg2[%add3A_29, %dma_start3A_32] : memref<8192x1024xf32, #tpu.memory_space<hbm>> -> memref<16x1024xf32, #tpu.memory_space<hbm>>
    tpu.enqueue_dma source(%dma_start3A_33 : memref<16x1024xf32, #tpu.memory_space<hbm>>) target(%arg9 : memref<16x1024xf32, #tpu.memory_space<vmem>>) target_semaphore(%arg34 : memref<!tpu.dma_semaphore, #tpu.memory_space<semaphore_mem>>)
    "tpu.region"() ({
      %run_scoped3A = tpu.sem_alloc : memref<!tpu.dma_semaphore, #tpu.memory_space<semaphore_mem>>
      %dma_start3A_626 = arith.constant 0 : i32
      %dma_start3A_627 = tpu.memref_slice %arg11[%dma_start3A_626] : memref<272xi32, #tpu.memory_space<vmem>> -> memref<256xi32, #tpu.memory_space<vmem>>
      %dma_start3A_628 = tpu.memref_slice %arg3[%mul3A_4] : memref<8192xi32, #tpu.memory_space<hbm>> -> memref<256xi32, #tpu.memory_space<hbm>>
      %dma_start3A_629 = arith.constant 0 : i32
      %dma_start3A_630 = tpu.memref_slice %arg11[%dma_start3A_629] : memref<272xi32, #tpu.memory_space<vmem>> -> memref<256xi32, #tpu.memory_space<vmem>>
      %dma_start3A_631 = tpu.memref_slice %arg3[%mul3A_4] : memref<8192xi32, #tpu.memory_space<hbm>> -> memref<256xi32, #tpu.memory_space<hbm>>
      tpu.enqueue_dma source(%dma_start3A_631 : memref<256xi32, #tpu.memory_space<hbm>>) target(%dma_start3A_630 : memref<256xi32, #tpu.memory_space<vmem>>) target_semaphore(%run_scoped3A : memref<!tpu.dma_semaphore, #tpu.memory_space<semaphore_mem>>)
      %dma_wait3A_632 = arith.constant 0 : i32
      %dma_wait3A_633 = tpu.memref_slice %arg11[%dma_wait3A_632] : memref<272xi32, #tpu.memory_space<vmem>> -> memref<256xi32, #tpu.memory_space<vmem>>
      %dma_wait3A_634 = tpu.memref_slice %arg3[%mul3A_4] : memref<8192xi32, #tpu.memory_space<hbm>> -> memref<256xi32, #tpu.memory_space<hbm>>
      %dma_wait3A_635 = arith.constant 0 : i32
      %dma_wait3A_636 = tpu.memref_slice %arg11[%dma_wait3A_635] : memref<272xi32, #tpu.memory_space<vmem>> -> memref<256xi32, #tpu.memory_space<vmem>>
      %dma_wait3A_637 = tpu.memref_slice %arg3[%mul3A_4] : memref<8192xi32, #tpu.memory_space<hbm>> -> memref<256xi32, #tpu.memory_space<hbm>>
      tpu.wait_dma2 semaphore(%run_scoped3A : memref<!tpu.dma_semaphore, #tpu.memory_space<semaphore_mem>>) src(%dma_wait3A_637 : memref<256xi32, #tpu.memory_space<hbm>>) dst(%dma_wait3A_636 : memref<256xi32, #tpu.memory_space<vmem>>)
      tpu.yield
    }) : () -> ()
    %iota3A = tpu.iota {dimensions = array<i32: 0>} : vector<16xi32>
    %add3A_34 = arith.constant 0 : i32
    %add3A_35 = arith.addi %mul3A_4, %add3A_34 : i32
    %add3A_36 = arith.constant 0 : i32
    %add3A_37 = arith.addi %add3A_35, %add3A_36 : i32
    %add3A_38 = vector.broadcast %add3A_37 : i32 to vector<16xi32>
    %add3A_39 = arith.addi %add3A_38, %iota3A : vector<16xi32>
    %get3A = arith.constant 0 : index
    %get3A_40 = tpu.vector_load %arg11[%get3A] {strides = array<i32>} : memref<272xi32, #tpu.memory_space<vmem>>, vector<16xi32>,
    %get3A_41 = vector.shape_cast %get3A_40 : vector<16xi32> to vector<16xi32>
    %mul3A_42 = arith.constant 2048 : i32
    %mul3A_43 = vector.broadcast %mul3A_42 : i32 to vector<16xi32>
    %mul3A_44 = arith.muli %get3A_41, %mul3A_43 : vector<16xi32>
    %shift_right_arithmetic3A = arith.constant 1 : i32
    %shift_right_arithmetic3A_45 = vector.broadcast %shift_right_arithmetic3A : i32 to vector<16xi32>
    %shift_right_arithmetic3A_46 = arith.shrsi %add3A_39, %shift_right_arithmetic3A_45 : vector<16xi32>
    %add3A_47 = arith.addi %mul3A_44, %shift_right_arithmetic3A_46 : vector<16xi32>
    %swap3A = arith.constant 0 : index
    %swap3A_48 = tpu.vector_load %arg13[%swap3A] {strides = array<i32>} : memref<16xi32, #tpu.memory_space<vmem>>, vector<16xi32>,
    %swap3A_49 = vector.shape_cast %swap3A_48 : vector<16xi32> to vector<16xi32>
    %swap3A_50 = vector.shape_cast %add3A_47 : vector<16xi32> to vector<16xi32>
    tpu.vector_store %arg13[%swap3A], %swap3A_50 {strides = array<i32>} : memref<16xi32, #tpu.memory_space<vmem>>, vector<16xi32>,
    %add3A_51 = arith.constant 16 : i32
    %add3A_52 = arith.addi %mul3A_4, %add3A_51 : i32
    %add3A_53 = arith.constant 0 : i32
    %add3A_54 = arith.addi %add3A_52, %add3A_53 : i32
    %add3A_55 = vector.broadcast %add3A_54 : i32 to vector<16xi32>
    %add3A_56 = arith.addi %add3A_55, %iota3A : vector<16xi32>
    %get3A_57 = arith.constant 16 : index
    %get3A_58 = tpu.vector_load %arg11[%get3A_57] {strides = array<i32>} : memref<272xi32, #tpu.memory_space<vmem>>, vector<16xi32>,
    %get3A_59 = vector.shape_cast %get3A_58 : vector<16xi32> to vector<16xi32>
    %mul3A_60 = arith.constant 2048 : i32
    %mul3A_61 = vector.broadcast %mul3A_60 : i32 to vector<16xi32>
    %mul3A_62 = arith.muli %get3A_59, %mul3A_61 : vector<16xi32>
    %shift_right_arithmetic3A_63 = arith.constant 1 : i32
    %shift_right_arithmetic3A_64 = vector.broadcast %shift_right_arithmetic3A_63 : i32 to vector<16xi32>
    %shift_right_arithmetic3A_65 = arith.shrsi %add3A_56, %shift_right_arithmetic3A_64 : vector<16xi32>
    %add3A_66 = arith.addi %mul3A_62, %shift_right_arithmetic3A_65 : vector<16xi32>
    %swap3A_67 = arith.constant 0 : index
    %swap3A_68 = tpu.vector_load %arg14[%swap3A_67] {strides = array<i32>} : memref<16xi32, #tpu.memory_space<vmem>>, vector<16xi32>,
    %swap3A_69 = vector.shape_cast %swap3A_68 : vector<16xi32> to vector<16xi32>
    %swap3A_70 = vector.shape_cast %add3A_66 : vector<16xi32> to vector<16xi32>
    tpu.vector_store %arg14[%swap3A_67], %swap3A_70 {strides = array<i32>} : memref<16xi32, #tpu.memory_space<vmem>>, vector<16xi32>,
    %add3A_71 = arith.constant 32 : i32
    %add3A_72 = arith.addi %mul3A_4, %add3A_71 : i32
    %add3A_73 = arith.constant 0 : i32
    %add3A_74 = arith.addi %add3A_72, %add3A_73 : i32
    %add3A_75 = vector.broadcast %add3A_74 : i32 to vector<16xi32>
    %add3A_76 = arith.addi %add3A_75, %iota3A : vector<16xi32>
    %get3A_77 = arith.constant 32 : index
    %get3A_78 = tpu.vector_load %arg11[%get3A_77] {strides = array<i32>} : memref<272xi32, #tpu.memory_space<vmem>>, vector<16xi32>,
    %get3A_79 = vector.shape_cast %get3A_78 : vector<16xi32> to vector<16xi32>
    %mul3A_80 = arith.constant 2048 : i32
    %mul3A_81 = vector.broadcast %mul3A_80 : i32 to vector<16xi32>
    %mul3A_82 = arith.muli %get3A_79, %mul3A_81 : vector<16xi32>
    %shift_right_arithmetic3A_83 = arith.constant 1 : i32
    %shift_right_arithmetic3A_84 = vector.broadcast %shift_right_arithmetic3A_83 : i32 to vector<16xi32>
    %shift_right_arithmetic3A_85 = arith.shrsi %add3A_76, %shift_right_arithmetic3A_84 : vector<16xi32>
    %add3A_86 = arith.addi %mul3A_82, %shift_right_arithmetic3A_85 : vector<16xi32>
    %swap3A_87 = arith.constant 0 : index
    %swap3A_88 = tpu.vector_load %arg15[%swap3A_87] {strides = array<i32>} : memref<16xi32, #tpu.memory_space<vmem>>, vector<16xi32>,
    %swap3A_89 = vector.shape_cast %swap3A_88 : vector<16xi32> to vector<16xi32>
    %swap3A_90 = vector.shape_cast %add3A_86 : vector<16xi32> to vector<16xi32>
    tpu.vector_store %arg15[%swap3A_87], %swap3A_90 {strides = array<i32>} : memref<16xi32, #tpu.memory_space<vmem>>, vector<16xi32>,
    %add3A_91 = arith.constant 48 : i32
    %add3A_92 = arith.addi %mul3A_4, %add3A_91 : i32
    %add3A_93 = arith.constant 0 : i32
    %add3A_94 = arith.addi %add3A_92, %add3A_93 : i32
    %add3A_95 = vector.broadcast %add3A_94 : i32 to vector<16xi32>
    %add3A_96 = arith.addi %add3A_95, %iota3A : vector<16xi32>
    %get3A_97 = arith.constant 48 : index
    %get3A_98 = tpu.vector_load %arg11[%get3A_97] {strides = array<i32>} : memref<272xi32, #tpu.memory_space<vmem>>, vector<16xi32>,
    %get3A_99 = vector.shape_cast %get3A_98 : vector<16xi32> to vector<16xi32>
    %mul3A_100 = arith.constant 2048 : i32
    %mul3A_101 = vector.broadcast %mul3A_100 : i32 to vector<16xi32>
    %mul3A_102 = arith.muli %get3A_99, %mul3A_101 : vector<16xi32>
    %shift_right_arithmetic3A_103 = arith.constant 1 : i32
    %shift_right_arithmetic3A_104 = vector.broadcast %shift_right_arithmetic3A_103 : i32 to vector<16xi32>
    %shift_right_arithmetic3A_105 = arith.shrsi %add3A_96, %shift_right_arithmetic3A_104 : vector<16xi32>
    %add3A_106 = arith.addi %mul3A_102, %shift_right_arithmetic3A_105 : vector<16xi32>
    %swap3A_107 = arith.constant 0 : index
    %swap3A_108 = tpu.vector_load %arg16[%swap3A_107] {strides = array<i32>} : memref<16xi32, #tpu.memory_space<vmem>>, vector<16xi32>,
    %swap3A_109 = vector.shape_cast %swap3A_108 : vector<16xi32> to vector<16xi32>
    %swap3A_110 = vector.shape_cast %add3A_106 : vector<16xi32> to vector<16xi32>
    tpu.vector_store %arg16[%swap3A_107], %swap3A_110 {strides = array<i32>} : memref<16xi32, #tpu.memory_space<vmem>>, vector<16xi32>,
    %add3A_111 = arith.constant 64 : i32
    %add3A_112 = arith.addi %mul3A_4, %add3A_111 : i32
    %add3A_113 = arith.constant 0 : i32
    %add3A_114 = arith.addi %add3A_112, %add3A_113 : i32
    %add3A_115 = vector.broadcast %add3A_114 : i32 to vector<16xi32>
    %add3A_116 = arith.addi %add3A_115, %iota3A : vector<16xi32>
    %get3A_117 = arith.constant 64 : index
    %get3A_118 = tpu.vector_load %arg11[%get3A_117] {strides = array<i32>} : memref<272xi32, #tpu.memory_space<vmem>>, vector<16xi32>,
    %get3A_119 = vector.shape_cast %get3A_118 : vector<16xi32> to vector<16xi32>
    %mul3A_120 = arith.constant 2048 : i32
    %mul3A_121 = vector.broadcast %mul3A_120 : i32 to vector<16xi32>
    %mul3A_122 = arith.muli %get3A_119, %mul3A_121 : vector<16xi32>
    %shift_right_arithmetic3A_123 = arith.constant 1 : i32
    %shift_right_arithmetic3A_124 = vector.broadcast %shift_right_arithmetic3A_123 : i32 to vector<16xi32>
    %shift_right_arithmetic3A_125 = arith.shrsi %add3A_116, %shift_right_arithmetic3A_124 : vector<16xi32>
    %add3A_126 = arith.addi %mul3A_122, %shift_right_arithmetic3A_125 : vector<16xi32>
    %swap3A_127 = arith.constant 0 : index
    %swap3A_128 = tpu.vector_load %arg17[%swap3A_127] {strides = array<i32>} : memref<16xi32, #tpu.memory_space<vmem>>, vector<16xi32>,
    %swap3A_129 = vector.shape_cast %swap3A_128 : vector<16xi32> to vector<16xi32>
    %swap3A_130 = vector.shape_cast %add3A_126 : vector<16xi32> to vector<16xi32>
    tpu.vector_store %arg17[%swap3A_127], %swap3A_130 {strides = array<i32>} : memref<16xi32, #tpu.memory_space<vmem>>, vector<16xi32>,
    %add3A_131 = arith.constant 80 : i32
    %add3A_132 = arith.addi %mul3A_4, %add3A_131 : i32
    %add3A_133 = arith.constant 0 : i32
    %add3A_134 = arith.addi %add3A_132, %add3A_133 : i32
    %add3A_135 = vector.broadcast %add3A_134 : i32 to vector<16xi32>
    %add3A_136 = arith.addi %add3A_135, %iota3A : vector<16xi32>
    %get3A_137 = arith.constant 80 : index
    %get3A_138 = tpu.vector_load %arg11[%get3A_137] {strides = array<i32>} : memref<272xi32, #tpu.memory_space<vmem>>, vector<16xi32>,
    %get3A_139 = vector.shape_cast %get3A_138 : vector<16xi32> to vector<16xi32>
    %mul3A_140 = arith.constant 2048 : i32
    %mul3A_141 = vector.broadcast %mul3A_140 : i32 to vector<16xi32>
    %mul3A_142 = arith.muli %get3A_139, %mul3A_141 : vector<16xi32>
    %shift_right_arithmetic3A_143 = arith.constant 1 : i32
    %shift_right_arithmetic3A_144 = vector.broadcast %shift_right_arithmetic3A_143 : i32 to vector<16xi32>
    %shift_right_arithmetic3A_145 = arith.shrsi %add3A_136, %shift_right_arithmetic3A_144 : vector<16xi32>
    %add3A_146 = arith.addi %mul3A_142, %shift_right_arithmetic3A_145 : vector<16xi32>
    %swap3A_147 = arith.constant 0 : index
    %swap3A_148 = tpu.vector_load %arg18[%swap3A_147] {strides = array<i32>} : memref<16xi32, #tpu.memory_space<vmem>>, vector<16xi32>,
    %swap3A_149 = vector.shape_cast %swap3A_148 : vector<16xi32> to vector<16xi32>
    %swap3A_150 = vector.shape_cast %add3A_146 : vector<16xi32> to vector<16xi32>
    tpu.vector_store %arg18[%swap3A_147], %swap3A_150 {strides = array<i32>} : memref<16xi32, #tpu.memory_space<vmem>>, vector<16xi32>,
    %add3A_151 = arith.constant 96 : i32
    %add3A_152 = arith.addi %mul3A_4, %add3A_151 : i32
    %add3A_153 = arith.constant 0 : i32
    %add3A_154 = arith.addi %add3A_152, %add3A_153 : i32
    %add3A_155 = vector.broadcast %add3A_154 : i32 to vector<16xi32>
    %add3A_156 = arith.addi %add3A_155, %iota3A : vector<16xi32>
    %get3A_157 = arith.constant 96 : index
    %get3A_158 = tpu.vector_load %arg11[%get3A_157] {strides = array<i32>} : memref<272xi32, #tpu.memory_space<vmem>>, vector<16xi32>,
    %get3A_159 = vector.shape_cast %get3A_158 : vector<16xi32> to vector<16xi32>
    %mul3A_160 = arith.constant 2048 : i32
    %mul3A_161 = vector.broadcast %mul3A_160 : i32 to vector<16xi32>
    %mul3A_162 = arith.muli %get3A_159, %mul3A_161 : vector<16xi32>
    %shift_right_arithmetic3A_163 = arith.constant 1 : i32
    %shift_right_arithmetic3A_164 = vector.broadcast %shift_right_arithmetic3A_163 : i32 to vector<16xi32>
    %shift_right_arithmetic3A_165 = arith.shrsi %add3A_156, %shift_right_arithmetic3A_164 : vector<16xi32>
    %add3A_166 = arith.addi %mul3A_162, %shift_right_arithmetic3A_165 : vector<16xi32>
    %swap3A_167 = arith.constant 0 : index
    %swap3A_168 = tpu.vector_load %arg19[%swap3A_167] {strides = array<i32>} : memref<16xi32, #tpu.memory_space<vmem>>, vector<16xi32>,
    %swap3A_169 = vector.shape_cast %swap3A_168 : vector<16xi32> to vector<16xi32>
    %swap3A_170 = vector.shape_cast %add3A_166 : vector<16xi32> to vector<16xi32>
    tpu.vector_store %arg19[%swap3A_167], %swap3A_170 {strides = array<i32>} : memref<16xi32, #tpu.memory_space<vmem>>, vector<16xi32>,
    %add3A_171 = arith.constant 112 : i32
    %add3A_172 = arith.addi %mul3A_4, %add3A_171 : i32
    %add3A_173 = arith.constant 0 : i32
    %add3A_174 = arith.addi %add3A_172, %add3A_173 : i32
    %add3A_175 = vector.broadcast %add3A_174 : i32 to vector<16xi32>
    %add3A_176 = arith.addi %add3A_175, %iota3A : vector<16xi32>
    %get3A_177 = arith.constant 112 : index
    %get3A_178 = tpu.vector_load %arg11[%get3A_177] {strides = array<i32>} : memref<272xi32, #tpu.memory_space<vmem>>, vector<16xi32>,
    %get3A_179 = vector.shape_cast %get3A_178 : vector<16xi32> to vector<16xi32>
    %mul3A_180 = arith.constant 2048 : i32
    %mul3A_181 = vector.broadcast %mul3A_180 : i32 to vector<16xi32>
    %mul3A_182 = arith.muli %get3A_179, %mul3A_181 : vector<16xi32>
    %shift_right_arithmetic3A_183 = arith.constant 1 : i32
    %shift_right_arithmetic3A_184 = vector.broadcast %shift_right_arithmetic3A_183 : i32 to vector<16xi32>
    %shift_right_arithmetic3A_185 = arith.shrsi %add3A_176, %shift_right_arithmetic3A_184 : vector<16xi32>
    %add3A_186 = arith.addi %mul3A_182, %shift_right_arithmetic3A_185 : vector<16xi32>
    %swap3A_187 = arith.constant 0 : index
    %swap3A_188 = tpu.vector_load %arg20[%swap3A_187] {strides = array<i32>} : memref<16xi32, #tpu.memory_space<vmem>>, vector<16xi32>,
    %swap3A_189 = vector.shape_cast %swap3A_188 : vector<16xi32> to vector<16xi32>
    %swap3A_190 = vector.shape_cast %add3A_186 : vector<16xi32> to vector<16xi32>
    tpu.vector_store %arg20[%swap3A_187], %swap3A_190 {strides = array<i32>} : memref<16xi32, #tpu.memory_space<vmem>>, vector<16xi32>,
    %add3A_191 = arith.constant 128 : i32
    %add3A_192 = arith.addi %mul3A_4, %add3A_191 : i32
    %add3A_193 = arith.constant 0 : i32
    %add3A_194 = arith.addi %add3A_192, %add3A_193 : i32
    %add3A_195 = vector.broadcast %add3A_194 : i32 to vector<16xi32>
    %add3A_196 = arith.addi %add3A_195, %iota3A : vector<16xi32>
    %get3A_197 = arith.constant 128 : index
    %get3A_198 = tpu.vector_load %arg11[%get3A_197] {strides = array<i32>} : memref<272xi32, #tpu.memory_space<vmem>>, vector<16xi32>,
    %get3A_199 = vector.shape_cast %get3A_198 : vector<16xi32> to vector<16xi32>
    %mul3A_200 = arith.constant 2048 : i32
    %mul3A_201 = vector.broadcast %mul3A_200 : i32 to vector<16xi32>
    %mul3A_202 = arith.muli %get3A_199, %mul3A_201 : vector<16xi32>
    %shift_right_arithmetic3A_203 = arith.constant 1 : i32
    %shift_right_arithmetic3A_204 = vector.broadcast %shift_right_arithmetic3A_203 : i32 to vector<16xi32>
    %shift_right_arithmetic3A_205 = arith.shrsi %add3A_196, %shift_right_arithmetic3A_204 : vector<16xi32>
    %add3A_206 = arith.addi %mul3A_202, %shift_right_arithmetic3A_205 : vector<16xi32>
    %swap3A_207 = arith.constant 0 : index
    %swap3A_208 = tpu.vector_load %arg21[%swap3A_207] {strides = array<i32>} : memref<16xi32, #tpu.memory_space<vmem>>, vector<16xi32>,
    %swap3A_209 = vector.shape_cast %swap3A_208 : vector<16xi32> to vector<16xi32>
    %swap3A_210 = vector.shape_cast %add3A_206 : vector<16xi32> to vector<16xi32>
    tpu.vector_store %arg21[%swap3A_207], %swap3A_210 {strides = array<i32>} : memref<16xi32, #tpu.memory_space<vmem>>, vector<16xi32>,
    %add3A_211 = arith.constant 144 : i32
    %add3A_212 = arith.addi %mul3A_4, %add3A_211 : i32
    %add3A_213 = arith.constant 0 : i32
    %add3A_214 = arith.addi %add3A_212, %add3A_213 : i32
    %add3A_215 = vector.broadcast %add3A_214 : i32 to vector<16xi32>
    %add3A_216 = arith.addi %add3A_215, %iota3A : vector<16xi32>
    %get3A_217 = arith.constant 144 : index
    %get3A_218 = tpu.vector_load %arg11[%get3A_217] {strides = array<i32>} : memref<272xi32, #tpu.memory_space<vmem>>, vector<16xi32>,
    %get3A_219 = vector.shape_cast %get3A_218 : vector<16xi32> to vector<16xi32>
    %mul3A_220 = arith.constant 2048 : i32
    %mul3A_221 = vector.broadcast %mul3A_220 : i32 to vector<16xi32>
    %mul3A_222 = arith.muli %get3A_219, %mul3A_221 : vector<16xi32>
    %shift_right_arithmetic3A_223 = arith.constant 1 : i32
    %shift_right_arithmetic3A_224 = vector.broadcast %shift_right_arithmetic3A_223 : i32 to vector<16xi32>
    %shift_right_arithmetic3A_225 = arith.shrsi %add3A_216, %shift_right_arithmetic3A_224 : vector<16xi32>
    %add3A_226 = arith.addi %mul3A_222, %shift_right_arithmetic3A_225 : vector<16xi32>
    %swap3A_227 = arith.constant 0 : index
    %swap3A_228 = tpu.vector_load %arg22[%swap3A_227] {strides = array<i32>} : memref<16xi32, #tpu.memory_space<vmem>>, vector<16xi32>,
    %swap3A_229 = vector.shape_cast %swap3A_228 : vector<16xi32> to vector<16xi32>
    %swap3A_230 = vector.shape_cast %add3A_226 : vector<16xi32> to vector<16xi32>
    tpu.vector_store %arg22[%swap3A_227], %swap3A_230 {strides = array<i32>} : memref<16xi32, #tpu.memory_space<vmem>>, vector<16xi32>,
    %add3A_231 = arith.constant 160 : i32
    %add3A_232 = arith.addi %mul3A_4, %add3A_231 : i32
    %add3A_233 = arith.constant 0 : i32
    %add3A_234 = arith.addi %add3A_232, %add3A_233 : i32
    %add3A_235 = vector.broadcast %add3A_234 : i32 to vector<16xi32>
    %add3A_236 = arith.addi %add3A_235, %iota3A : vector<16xi32>
    %get3A_237 = arith.constant 160 : index
    %get3A_238 = tpu.vector_load %arg11[%get3A_237] {strides = array<i32>} : memref<272xi32, #tpu.memory_space<vmem>>, vector<16xi32>,
    %get3A_239 = vector.shape_cast %get3A_238 : vector<16xi32> to vector<16xi32>
    %mul3A_240 = arith.constant 2048 : i32
    %mul3A_241 = vector.broadcast %mul3A_240 : i32 to vector<16xi32>
    %mul3A_242 = arith.muli %get3A_239, %mul3A_241 : vector<16xi32>
    %shift_right_arithmetic3A_243 = arith.constant 1 : i32
    %shift_right_arithmetic3A_244 = vector.broadcast %shift_right_arithmetic3A_243 : i32 to vector<16xi32>
    %shift_right_arithmetic3A_245 = arith.shrsi %add3A_236, %shift_right_arithmetic3A_244 : vector<16xi32>
    %add3A_246 = arith.addi %mul3A_242, %shift_right_arithmetic3A_245 : vector<16xi32>
    %swap3A_247 = arith.constant 0 : index
    %swap3A_248 = tpu.vector_load %arg23[%swap3A_247] {strides = array<i32>} : memref<16xi32, #tpu.memory_space<vmem>>, vector<16xi32>,
    %swap3A_249 = vector.shape_cast %swap3A_248 : vector<16xi32> to vector<16xi32>
    %swap3A_250 = vector.shape_cast %add3A_246 : vector<16xi32> to vector<16xi32>
    tpu.vector_store %arg23[%swap3A_247], %swap3A_250 {strides = array<i32>} : memref<16xi32, #tpu.memory_space<vmem>>, vector<16xi32>,
    %add3A_251 = arith.constant 176 : i32
    %add3A_252 = arith.addi %mul3A_4, %add3A_251 : i32
    %add3A_253 = arith.constant 0 : i32
    %add3A_254 = arith.addi %add3A_252, %add3A_253 : i32
    %add3A_255 = vector.broadcast %add3A_254 : i32 to vector<16xi32>
    %add3A_256 = arith.addi %add3A_255, %iota3A : vector<16xi32>
    %get3A_257 = arith.constant 176 : index
    %get3A_258 = tpu.vector_load %arg11[%get3A_257] {strides = array<i32>} : memref<272xi32, #tpu.memory_space<vmem>>, vector<16xi32>,
    %get3A_259 = vector.shape_cast %get3A_258 : vector<16xi32> to vector<16xi32>
    %mul3A_260 = arith.constant 2048 : i32
    %mul3A_261 = vector.broadcast %mul3A_260 : i32 to vector<16xi32>
    %mul3A_262 = arith.muli %get3A_259, %mul3A_261 : vector<16xi32>
    %shift_right_arithmetic3A_263 = arith.constant 1 : i32
    %shift_right_arithmetic3A_264 = vector.broadcast %shift_right_arithmetic3A_263 : i32 to vector<16xi32>
    %shift_right_arithmetic3A_265 = arith.shrsi %add3A_256, %shift_right_arithmetic3A_264 : vector<16xi32>
    %add3A_266 = arith.addi %mul3A_262, %shift_right_arithmetic3A_265 : vector<16xi32>
    %swap3A_267 = arith.constant 0 : index
    %swap3A_268 = tpu.vector_load %arg24[%swap3A_267] {strides = array<i32>} : memref<16xi32, #tpu.memory_space<vmem>>, vector<16xi32>,
    %swap3A_269 = vector.shape_cast %swap3A_268 : vector<16xi32> to vector<16xi32>
    %swap3A_270 = vector.shape_cast %add3A_266 : vector<16xi32> to vector<16xi32>
    tpu.vector_store %arg24[%swap3A_267], %swap3A_270 {strides = array<i32>} : memref<16xi32, #tpu.memory_space<vmem>>, vector<16xi32>,
    %add3A_271 = arith.constant 192 : i32
    %add3A_272 = arith.addi %mul3A_4, %add3A_271 : i32
    %add3A_273 = arith.constant 0 : i32
    %add3A_274 = arith.addi %add3A_272, %add3A_273 : i32
    %add3A_275 = vector.broadcast %add3A_274 : i32 to vector<16xi32>
    %add3A_276 = arith.addi %add3A_275, %iota3A : vector<16xi32>
    %get3A_277 = arith.constant 192 : index
    %get3A_278 = tpu.vector_load %arg11[%get3A_277] {strides = array<i32>} : memref<272xi32, #tpu.memory_space<vmem>>, vector<16xi32>,
    %get3A_279 = vector.shape_cast %get3A_278 : vector<16xi32> to vector<16xi32>
    %mul3A_280 = arith.constant 2048 : i32
    %mul3A_281 = vector.broadcast %mul3A_280 : i32 to vector<16xi32>
    %mul3A_282 = arith.muli %get3A_279, %mul3A_281 : vector<16xi32>
    %shift_right_arithmetic3A_283 = arith.constant 1 : i32
    %shift_right_arithmetic3A_284 = vector.broadcast %shift_right_arithmetic3A_283 : i32 to vector<16xi32>
    %shift_right_arithmetic3A_285 = arith.shrsi %add3A_276, %shift_right_arithmetic3A_284 : vector<16xi32>
    %add3A_286 = arith.addi %mul3A_282, %shift_right_arithmetic3A_285 : vector<16xi32>
    %swap3A_287 = arith.constant 0 : index
    %swap3A_288 = tpu.vector_load %arg25[%swap3A_287] {strides = array<i32>} : memref<16xi32, #tpu.memory_space<vmem>>, vector<16xi32>,
    %swap3A_289 = vector.shape_cast %swap3A_288 : vector<16xi32> to vector<16xi32>
    %swap3A_290 = vector.shape_cast %add3A_286 : vector<16xi32> to vector<16xi32>
    tpu.vector_store %arg25[%swap3A_287], %swap3A_290 {strides = array<i32>} : memref<16xi32, #tpu.memory_space<vmem>>, vector<16xi32>,
    %add3A_291 = arith.constant 208 : i32
    %add3A_292 = arith.addi %mul3A_4, %add3A_291 : i32
    %add3A_293 = arith.constant 0 : i32
    %add3A_294 = arith.addi %add3A_292, %add3A_293 : i32
    %add3A_295 = vector.broadcast %add3A_294 : i32 to vector<16xi32>
    %add3A_296 = arith.addi %add3A_295, %iota3A : vector<16xi32>
    %get3A_297 = arith.constant 208 : index
    %get3A_298 = tpu.vector_load %arg11[%get3A_297] {strides = array<i32>} : memref<272xi32, #tpu.memory_space<vmem>>, vector<16xi32>,
    %get3A_299 = vector.shape_cast %get3A_298 : vector<16xi32> to vector<16xi32>
    %mul3A_300 = arith.constant 2048 : i32
    %mul3A_301 = vector.broadcast %mul3A_300 : i32 to vector<16xi32>
    %mul3A_302 = arith.muli %get3A_299, %mul3A_301 : vector<16xi32>
    %shift_right_arithmetic3A_303 = arith.constant 1 : i32
    %shift_right_arithmetic3A_304 = vector.broadcast %shift_right_arithmetic3A_303 : i32 to vector<16xi32>
    %shift_right_arithmetic3A_305 = arith.shrsi %add3A_296, %shift_right_arithmetic3A_304 : vector<16xi32>
    %add3A_306 = arith.addi %mul3A_302, %shift_right_arithmetic3A_305 : vector<16xi32>
    %swap3A_307 = arith.constant 0 : index
    %swap3A_308 = tpu.vector_load %arg26[%swap3A_307] {strides = array<i32>} : memref<16xi32, #tpu.memory_space<vmem>>, vector<16xi32>,
    %swap3A_309 = vector.shape_cast %swap3A_308 : vector<16xi32> to vector<16xi32>
    %swap3A_310 = vector.shape_cast %add3A_306 : vector<16xi32> to vector<16xi32>
    tpu.vector_store %arg26[%swap3A_307], %swap3A_310 {strides = array<i32>} : memref<16xi32, #tpu.memory_space<vmem>>, vector<16xi32>,
    %add3A_311 = arith.constant 224 : i32
    %add3A_312 = arith.addi %mul3A_4, %add3A_311 : i32
    %add3A_313 = arith.constant 0 : i32
    %add3A_314 = arith.addi %add3A_312, %add3A_313 : i32
    %add3A_315 = vector.broadcast %add3A_314 : i32 to vector<16xi32>
    %add3A_316 = arith.addi %add3A_315, %iota3A : vector<16xi32>
    %get3A_317 = arith.constant 224 : index
    %get3A_318 = tpu.vector_load %arg11[%get3A_317] {strides = array<i32>} : memref<272xi32, #tpu.memory_space<vmem>>, vector<16xi32>,
    %get3A_319 = vector.shape_cast %get3A_318 : vector<16xi32> to vector<16xi32>
    %mul3A_320 = arith.constant 2048 : i32
    %mul3A_321 = vector.broadcast %mul3A_320 : i32 to vector<16xi32>
    %mul3A_322 = arith.muli %get3A_319, %mul3A_321 : vector<16xi32>
    %shift_right_arithmetic3A_323 = arith.constant 1 : i32
    %shift_right_arithmetic3A_324 = vector.broadcast %shift_right_arithmetic3A_323 : i32 to vector<16xi32>
    %shift_right_arithmetic3A_325 = arith.shrsi %add3A_316, %shift_right_arithmetic3A_324 : vector<16xi32>
    %add3A_326 = arith.addi %mul3A_322, %shift_right_arithmetic3A_325 : vector<16xi32>
    %swap3A_327 = arith.constant 0 : index
    %swap3A_328 = tpu.vector_load %arg27[%swap3A_327] {strides = array<i32>} : memref<16xi32, #tpu.memory_space<vmem>>, vector<16xi32>,
    %swap3A_329 = vector.shape_cast %swap3A_328 : vector<16xi32> to vector<16xi32>
    %swap3A_330 = vector.shape_cast %add3A_326 : vector<16xi32> to vector<16xi32>
    tpu.vector_store %arg27[%swap3A_327], %swap3A_330 {strides = array<i32>} : memref<16xi32, #tpu.memory_space<vmem>>, vector<16xi32>,
    %add3A_331 = arith.constant 240 : i32
    %add3A_332 = arith.addi %mul3A_4, %add3A_331 : i32
    %add3A_333 = arith.constant 0 : i32
    %add3A_334 = arith.addi %add3A_332, %add3A_333 : i32
    %add3A_335 = vector.broadcast %add3A_334 : i32 to vector<16xi32>
    %add3A_336 = arith.addi %add3A_335, %iota3A : vector<16xi32>
    %get3A_337 = arith.constant 240 : index
    %get3A_338 = tpu.vector_load %arg11[%get3A_337] {strides = array<i32>} : memref<272xi32, #tpu.memory_space<vmem>>, vector<16xi32>,
    %get3A_339 = vector.shape_cast %get3A_338 : vector<16xi32> to vector<16xi32>
    %mul3A_340 = arith.constant 2048 : i32
    %mul3A_341 = vector.broadcast %mul3A_340 : i32 to vector<16xi32>
    %mul3A_342 = arith.muli %get3A_339, %mul3A_341 : vector<16xi32>
    %shift_right_arithmetic3A_343 = arith.constant 1 : i32
    %shift_right_arithmetic3A_344 = vector.broadcast %shift_right_arithmetic3A_343 : i32 to vector<16xi32>
    %shift_right_arithmetic3A_345 = arith.shrsi %add3A_336, %shift_right_arithmetic3A_344 : vector<16xi32>
    %add3A_346 = arith.addi %mul3A_342, %shift_right_arithmetic3A_345 : vector<16xi32>
    %swap3A_347 = arith.constant 0 : index
    %swap3A_348 = tpu.vector_load %arg28[%swap3A_347] {strides = array<i32>} : memref<16xi32, #tpu.memory_space<vmem>>, vector<16xi32>,
    %swap3A_349 = vector.shape_cast %swap3A_348 : vector<16xi32> to vector<16xi32>
    %swap3A_350 = vector.shape_cast %add3A_346 : vector<16xi32> to vector<16xi32>
    tpu.vector_store %arg28[%swap3A_347], %swap3A_350 {strides = array<i32>} : memref<16xi32, #tpu.memory_space<vmem>>, vector<16xi32>,
    %broadcast_in_dim3A = arith.constant 0.000000e+00 : f32
    %broadcast_in_dim3A_351 = vector.broadcast %broadcast_in_dim3A : f32 to vector<16xf32>
    %scan3A = arith.constant 0 : i32
    %scan3A_352 = arith.constant 64 : i32
    %scan3A_353 = arith.addi %scan3A, %scan3A_352 : i32
    %scan3A_354 = arith.constant 1 : i32
    scf.for %scan3A_626 = %scan3A to %scan3A_353 step %scan3A_354  : i32 {
      %mul3A_627 = arith.constant 1 : i32
      %mul3A_628 = arith.muli %scan3A_626, %mul3A_627 : i32
      %add3A_629 = arith.constant 0 : i32
      %add3A_630 = arith.addi %add3A_629, %mul3A_628 : i32
      %mul3A_631 = arith.constant 16 : i32
      %mul3A_632 = arith.muli %add3A_630, %mul3A_631 : i32
      %swap3A_633 = arith.constant 0 : i32
      %swap3A_634 = arith.index_cast %swap3A_633 : i32 to index
      %swap3A_635 = arith.index_cast %mul3A_632 : i32 to index
      %swap3A_636 = tpu.vector_load %arg12[%swap3A_634, %swap3A_635] {strides = array<i32>} : memref<1x1024xf32, #tpu.memory_space<vmem>>, vector<1x16xf32>,
      %swap3A_637 = vector.shape_cast %swap3A_636 : vector<1x16xf32> to vector<16xf32>
      %swap3A_638 = vector.shape_cast %broadcast_in_dim3A_351 : vector<16xf32> to vector<1x16xf32>
      tpu.vector_store %arg12[%swap3A_634, %swap3A_635], %swap3A_638 {strides = array<i32>} : memref<1x1024xf32, #tpu.memory_space<vmem>>, vector<1x16xf32>,
    }
    %scan3A_355 = arith.constant 64 : i32
    %scan3A_356 = arith.constant 0 : i32
    %scan3A_357 = arith.constant 128 : i32
    %scan3A_358 = arith.addi %scan3A_356, %scan3A_357 : i32
    %scan3A_359 = arith.constant 1 : i32
    scf.for %scan3A_626 = %scan3A_356 to %scan3A_358 step %scan3A_359  : i32 {
      %mul3A_627 = arith.constant 1 : i32
      %mul3A_628 = arith.muli %scan3A_626, %mul3A_627 : i32
      %add3A_629 = arith.constant 0 : i32
      %add3A_630 = arith.addi %add3A_629, %mul3A_628 : i32
      %mul3A_631 = arith.constant 2 : i32
      %mul3A_632 = arith.muli %mul3A_631, %add3A_630 : i32
      %get3A_633 = arith.index_cast %mul3A_632 : i32 to index
      %get3A_634 = tpu.vector_load %arg11[%get3A_633] {strides = array<i32>} : memref<272xi32, #tpu.memory_space<vmem>>, vector<16xi32>,
      %get3A_635 = vector.shape_cast %get3A_634 : vector<16xi32> to vector<16xi32>
      %slice3A = vector.extract_strided_slice %get3A_635 {offsets = [0], sizes = [1], strides = [1]} : vector<16xi32> to vector<1xi32>
      %squeeze3A = vector.extract %slice3A[0] : i32 from vector<1xi32>
      %slice3A_636 = vector.extract_strided_slice %get3A_635 {offsets = [1], sizes = [1], strides = [1]} : vector<16xi32> to vector<1xi32>
      %squeeze3A_637 = vector.extract %slice3A_636[0] : i32 from vector<1xi32>
      %ne3A = arith.constant 0 : i32
      %ne3A_638 = arith.cmpi ne, %squeeze3A, %ne3A : i32
      %ne3A_639 = arith.constant 0 : i32
      %ne3A_640 = arith.cmpi ne, %squeeze3A_637, %ne3A_639 : i32
      %and3A = arith.andi %ne3A_638, %ne3A_640 : i1
      %convert_element_type3A = arith.extui %and3A : i1 to i32
      %cond3A = arith.constant 0 : i32
      %cond3A_641 = arith.cmpi ne, %convert_element_type3A, %cond3A : i32
      scf.if %cond3A_641 {
        %add3A_642 = arith.constant 0 : i32
        %add3A_643 = arith.addi %add3A_642, %mul3A_2 : i32
        %add3A_644 = arith.addi %add3A_643, %add3A_630 : i32
        %dma_start3A_645 = arith.constant 0 : i32
        %dma_start3A_646 = tpu.memref_slice %arg4[%add3A_644, %dma_start3A_645] : memref<32768x1024xf32, #tpu.memory_space<hbm>> -> memref<1x1024xf32, #tpu.memory_space<hbm>>
        %dma_start3A_647 = arith.constant 0 : i32
        %dma_start3A_648 = tpu.memref_slice %arg4[%add3A_644, %dma_start3A_647] : memref<32768x1024xf32, #tpu.memory_space<hbm>> -> memref<1x1024xf32, #tpu.memory_space<hbm>>
        tpu.enqueue_dma source(%arg12 : memref<1x1024xf32, #tpu.memory_space<vmem>>) target(%dma_start3A_648 : memref<1x1024xf32, #tpu.memory_space<hbm>>) target_semaphore(%arg29 : memref<!tpu.dma_semaphore, #tpu.memory_space<semaphore_mem>>)
      } else {
      }
    }
    %scan3A_360 = arith.constant 128 : i32
    %scan3A_361 = arith.constant 0 : i32
    %scan3A_362 = arith.constant 128 : i32
    %scan3A_363 = arith.addi %scan3A_361, %scan3A_362 : i32
    %scan3A_364 = arith.constant 1 : i32
    scf.for %scan3A_626 = %scan3A_361 to %scan3A_363 step %scan3A_364  : i32 {
      %mul3A_627 = arith.constant 1 : i32
      %mul3A_628 = arith.muli %scan3A_626, %mul3A_627 : i32
      %add3A_629 = arith.constant 0 : i32
      %add3A_630 = arith.addi %add3A_629, %mul3A_628 : i32
      %mul3A_631 = arith.constant 2 : i32
      %mul3A_632 = arith.muli %mul3A_631, %add3A_630 : i32
      %get3A_633 = arith.index_cast %mul3A_632 : i32 to index
      %get3A_634 = tpu.vector_load %arg11[%get3A_633] {strides = array<i32>} : memref<272xi32, #tpu.memory_space<vmem>>, vector<16xi32>,
      %get3A_635 = vector.shape_cast %get3A_634 : vector<16xi32> to vector<16xi32>
      %slice3A = vector.extract_strided_slice %get3A_635 {offsets = [0], sizes = [1], strides = [1]} : vector<16xi32> to vector<1xi32>
      %squeeze3A = vector.extract %slice3A[0] : i32 from vector<1xi32>
      %slice3A_636 = vector.extract_strided_slice %get3A_635 {offsets = [1], sizes = [1], strides = [1]} : vector<16xi32> to vector<1xi32>
      %squeeze3A_637 = vector.extract %slice3A_636[0] : i32 from vector<1xi32>
      %ne3A = arith.constant 1 : i32
      %ne3A_638 = arith.cmpi ne, %squeeze3A, %ne3A : i32
      %ne3A_639 = arith.constant 1 : i32
      %ne3A_640 = arith.cmpi ne, %squeeze3A_637, %ne3A_639 : i32
      %and3A = arith.andi %ne3A_638, %ne3A_640 : i1
      %convert_element_type3A = arith.extui %and3A : i1 to i32
      %cond3A = arith.constant 0 : i32
      %cond3A_641 = arith.cmpi ne, %convert_element_type3A, %cond3A : i32
      scf.if %cond3A_641 {
        %add3A_642 = arith.constant 2048 : i32
        %add3A_643 = arith.addi %add3A_642, %mul3A_2 : i32
        %add3A_644 = arith.addi %add3A_643, %add3A_630 : i32
        %dma_start3A_645 = arith.constant 0 : i32
        %dma_start3A_646 = tpu.memref_slice %arg4[%add3A_644, %dma_start3A_645] : memref<32768x1024xf32, #tpu.memory_space<hbm>> -> memref<1x1024xf32, #tpu.memory_space<hbm>>
        %dma_start3A_647 = arith.constant 0 : i32
        %dma_start3A_648 = tpu.memref_slice %arg4[%add3A_644, %dma_start3A_647] : memref<32768x1024xf32, #tpu.memory_space<hbm>> -> memref<1x1024xf32, #tpu.memory_space<hbm>>
        tpu.enqueue_dma source(%arg12 : memref<1x1024xf32, #tpu.memory_space<vmem>>) target(%dma_start3A_648 : memref<1x1024xf32, #tpu.memory_space<hbm>>) target_semaphore(%arg29 : memref<!tpu.dma_semaphore, #tpu.memory_space<semaphore_mem>>)
      } else {
      }
    }
    %scan3A_365 = arith.constant 128 : i32
    %scan3A_366 = arith.constant 0 : i32
    %scan3A_367 = arith.constant 128 : i32
    %scan3A_368 = arith.addi %scan3A_366, %scan3A_367 : i32
    %scan3A_369 = arith.constant 1 : i32
    scf.for %scan3A_626 = %scan3A_366 to %scan3A_368 step %scan3A_369  : i32 {
      %mul3A_627 = arith.constant 1 : i32
      %mul3A_628 = arith.muli %scan3A_626, %mul3A_627 : i32
      %add3A_629 = arith.constant 0 : i32
      %add3A_630 = arith.addi %add3A_629, %mul3A_628 : i32
      %mul3A_631 = arith.constant 2 : i32
      %mul3A_632 = arith.muli %mul3A_631, %add3A_630 : i32
      %get3A_633 = arith.index_cast %mul3A_632 : i32 to index
      %get3A_634 = tpu.vector_load %arg11[%get3A_633] {strides = array<i32>} : memref<272xi32, #tpu.memory_space<vmem>>, vector<16xi32>,
      %get3A_635 = vector.shape_cast %get3A_634 : vector<16xi32> to vector<16xi32>
      %slice3A = vector.extract_strided_slice %get3A_635 {offsets = [0], sizes = [1], strides = [1]} : vector<16xi32> to vector<1xi32>
      %squeeze3A = vector.extract %slice3A[0] : i32 from vector<1xi32>
      %slice3A_636 = vector.extract_strided_slice %get3A_635 {offsets = [1], sizes = [1], strides = [1]} : vector<16xi32> to vector<1xi32>
      %squeeze3A_637 = vector.extract %slice3A_636[0] : i32 from vector<1xi32>
      %ne3A = arith.constant 2 : i32
      %ne3A_638 = arith.cmpi ne, %squeeze3A, %ne3A : i32
      %ne3A_639 = arith.constant 2 : i32
      %ne3A_640 = arith.cmpi ne, %squeeze3A_637, %ne3A_639 : i32
      %and3A = arith.andi %ne3A_638, %ne3A_640 : i1
      %convert_element_type3A = arith.extui %and3A : i1 to i32
      %cond3A = arith.constant 0 : i32
      %cond3A_641 = arith.cmpi ne, %convert_element_type3A, %cond3A : i32
      scf.if %cond3A_641 {
        %add3A_642 = arith.constant 4096 : i32
        %add3A_643 = arith.addi %add3A_642, %mul3A_2 : i32
        %add3A_644 = arith.addi %add3A_643, %add3A_630 : i32
        %dma_start3A_645 = arith.constant 0 : i32
        %dma_start3A_646 = tpu.memref_slice %arg4[%add3A_644, %dma_start3A_645] : memref<32768x1024xf32, #tpu.memory_space<hbm>> -> memref<1x1024xf32, #tpu.memory_space<hbm>>
        %dma_start3A_647 = arith.constant 0 : i32
        %dma_start3A_648 = tpu.memref_slice %arg4[%add3A_644, %dma_start3A_647] : memref<32768x1024xf32, #tpu.memory_space<hbm>> -> memref<1x1024xf32, #tpu.memory_space<hbm>>
        tpu.enqueue_dma source(%arg12 : memref<1x1024xf32, #tpu.memory_space<vmem>>) target(%dma_start3A_648 : memref<1x1024xf32, #tpu.memory_space<hbm>>) target_semaphore(%arg29 : memref<!tpu.dma_semaphore, #tpu.memory_space<semaphore_mem>>)
      } else {
      }
    }
    %scan3A_370 = arith.constant 128 : i32
    %scan3A_371 = arith.constant 0 : i32
    %scan3A_372 = arith.constant 128 : i32
    %scan3A_373 = arith.addi %scan3A_371, %scan3A_372 : i32
    %scan3A_374 = arith.constant 1 : i32
    scf.for %scan3A_626 = %scan3A_371 to %scan3A_373 step %scan3A_374  : i32 {
      %mul3A_627 = arith.constant 1 : i32
      %mul3A_628 = arith.muli %scan3A_626, %mul3A_627 : i32
      %add3A_629 = arith.constant 0 : i32
      %add3A_630 = arith.addi %add3A_629, %mul3A_628 : i32
      %mul3A_631 = arith.constant 2 : i32
      %mul3A_632 = arith.muli %mul3A_631, %add3A_630 : i32
      %get3A_633 = arith.index_cast %mul3A_632 : i32 to index
      %get3A_634 = tpu.vector_load %arg11[%get3A_633] {strides = array<i32>} : memref<272xi32, #tpu.memory_space<vmem>>, vector<16xi32>,
      %get3A_635 = vector.shape_cast %get3A_634 : vector<16xi32> to vector<16xi32>
      %slice3A = vector.extract_strided_slice %get3A_635 {offsets = [0], sizes = [1], strides = [1]} : vector<16xi32> to vector<1xi32>
      %squeeze3A = vector.extract %slice3A[0] : i32 from vector<1xi32>
      %slice3A_636 = vector.extract_strided_slice %get3A_635 {offsets = [1], sizes = [1], strides = [1]} : vector<16xi32> to vector<1xi32>
      %squeeze3A_637 = vector.extract %slice3A_636[0] : i32 from vector<1xi32>
      %ne3A = arith.constant 3 : i32
      %ne3A_638 = arith.cmpi ne, %squeeze3A, %ne3A : i32
      %ne3A_639 = arith.constant 3 : i32
      %ne3A_640 = arith.cmpi ne, %squeeze3A_637, %ne3A_639 : i32
      %and3A = arith.andi %ne3A_638, %ne3A_640 : i1
      %convert_element_type3A = arith.extui %and3A : i1 to i32
      %cond3A = arith.constant 0 : i32
      %cond3A_641 = arith.cmpi ne, %convert_element_type3A, %cond3A : i32
      scf.if %cond3A_641 {
        %add3A_642 = arith.constant 6144 : i32
        %add3A_643 = arith.addi %add3A_642, %mul3A_2 : i32
        %add3A_644 = arith.addi %add3A_643, %add3A_630 : i32
        %dma_start3A_645 = arith.constant 0 : i32
        %dma_start3A_646 = tpu.memref_slice %arg4[%add3A_644, %dma_start3A_645] : memref<32768x1024xf32, #tpu.memory_space<hbm>> -> memref<1x1024xf32, #tpu.memory_space<hbm>>
        %dma_start3A_647 = arith.constant 0 : i32
        %dma_start3A_648 = tpu.memref_slice %arg4[%add3A_644, %dma_start3A_647] : memref<32768x1024xf32, #tpu.memory_space<hbm>> -> memref<1x1024xf32, #tpu.memory_space<hbm>>
        tpu.enqueue_dma source(%arg12 : memref<1x1024xf32, #tpu.memory_space<vmem>>) target(%dma_start3A_648 : memref<1x1024xf32, #tpu.memory_space<hbm>>) target_semaphore(%arg29 : memref<!tpu.dma_semaphore, #tpu.memory_space<semaphore_mem>>)
      } else {
      }
    }
    %scan3A_375 = arith.constant 128 : i32
    %scan3A_376 = arith.constant 0 : i32
    %scan3A_377 = arith.constant 128 : i32
    %scan3A_378 = arith.addi %scan3A_376, %scan3A_377 : i32
    %scan3A_379 = arith.constant 1 : i32
    scf.for %scan3A_626 = %scan3A_376 to %scan3A_378 step %scan3A_379  : i32 {
      %mul3A_627 = arith.constant 1 : i32
      %mul3A_628 = arith.muli %scan3A_626, %mul3A_627 : i32
      %add3A_629 = arith.constant 0 : i32
      %add3A_630 = arith.addi %add3A_629, %mul3A_628 : i32
      %mul3A_631 = arith.constant 2 : i32
      %mul3A_632 = arith.muli %mul3A_631, %add3A_630 : i32
      %get3A_633 = arith.index_cast %mul3A_632 : i32 to index
      %get3A_634 = tpu.vector_load %arg11[%get3A_633] {strides = array<i32>} : memref<272xi32, #tpu.memory_space<vmem>>, vector<16xi32>,
      %get3A_635 = vector.shape_cast %get3A_634 : vector<16xi32> to vector<16xi32>
      %slice3A = vector.extract_strided_slice %get3A_635 {offsets = [0], sizes = [1], strides = [1]} : vector<16xi32> to vector<1xi32>
      %squeeze3A = vector.extract %slice3A[0] : i32 from vector<1xi32>
      %slice3A_636 = vector.extract_strided_slice %get3A_635 {offsets = [1], sizes = [1], strides = [1]} : vector<16xi32> to vector<1xi32>
      %squeeze3A_637 = vector.extract %slice3A_636[0] : i32 from vector<1xi32>
      %ne3A = arith.constant 4 : i32
      %ne3A_638 = arith.cmpi ne, %squeeze3A, %ne3A : i32
      %ne3A_639 = arith.constant 4 : i32
      %ne3A_640 = arith.cmpi ne, %squeeze3A_637, %ne3A_639 : i32
      %and3A = arith.andi %ne3A_638, %ne3A_640 : i1
      %convert_element_type3A = arith.extui %and3A : i1 to i32
      %cond3A = arith.constant 0 : i32
      %cond3A_641 = arith.cmpi ne, %convert_element_type3A, %cond3A : i32
      scf.if %cond3A_641 {
        %add3A_642 = arith.constant 8192 : i32
        %add3A_643 = arith.addi %add3A_642, %mul3A_2 : i32
        %add3A_644 = arith.addi %add3A_643, %add3A_630 : i32
        %dma_start3A_645 = arith.constant 0 : i32
        %dma_start3A_646 = tpu.memref_slice %arg4[%add3A_644, %dma_start3A_645] : memref<32768x1024xf32, #tpu.memory_space<hbm>> -> memref<1x1024xf32, #tpu.memory_space<hbm>>
        %dma_start3A_647 = arith.constant 0 : i32
        %dma_start3A_648 = tpu.memref_slice %arg4[%add3A_644, %dma_start3A_647] : memref<32768x1024xf32, #tpu.memory_space<hbm>> -> memref<1x1024xf32, #tpu.memory_space<hbm>>
        tpu.enqueue_dma source(%arg12 : memref<1x1024xf32, #tpu.memory_space<vmem>>) target(%dma_start3A_648 : memref<1x1024xf32, #tpu.memory_space<hbm>>) target_semaphore(%arg29 : memref<!tpu.dma_semaphore, #tpu.memory_space<semaphore_mem>>)
      } else {
      }
    }
    %scan3A_380 = arith.constant 128 : i32
    %scan3A_381 = arith.constant 0 : i32
    %scan3A_382 = arith.constant 128 : i32
    %scan3A_383 = arith.addi %scan3A_381, %scan3A_382 : i32
    %scan3A_384 = arith.constant 1 : i32
    scf.for %scan3A_626 = %scan3A_381 to %scan3A_383 step %scan3A_384  : i32 {
      %mul3A_627 = arith.constant 1 : i32
      %mul3A_628 = arith.muli %scan3A_626, %mul3A_627 : i32
      %add3A_629 = arith.constant 0 : i32
      %add3A_630 = arith.addi %add3A_629, %mul3A_628 : i32
      %mul3A_631 = arith.constant 2 : i32
      %mul3A_632 = arith.muli %mul3A_631, %add3A_630 : i32
      %get3A_633 = arith.index_cast %mul3A_632 : i32 to index
      %get3A_634 = tpu.vector_load %arg11[%get3A_633] {strides = array<i32>} : memref<272xi32, #tpu.memory_space<vmem>>, vector<16xi32>,
      %get3A_635 = vector.shape_cast %get3A_634 : vector<16xi32> to vector<16xi32>
      %slice3A = vector.extract_strided_slice %get3A_635 {offsets = [0], sizes = [1], strides = [1]} : vector<16xi32> to vector<1xi32>
      %squeeze3A = vector.extract %slice3A[0] : i32 from vector<1xi32>
      %slice3A_636 = vector.extract_strided_slice %get3A_635 {offsets = [1], sizes = [1], strides = [1]} : vector<16xi32> to vector<1xi32>
      %squeeze3A_637 = vector.extract %slice3A_636[0] : i32 from vector<1xi32>
      %ne3A = arith.constant 5 : i32
      %ne3A_638 = arith.cmpi ne, %squeeze3A, %ne3A : i32
      %ne3A_639 = arith.constant 5 : i32
      %ne3A_640 = arith.cmpi ne, %squeeze3A_637, %ne3A_639 : i32
      %and3A = arith.andi %ne3A_638, %ne3A_640 : i1
      %convert_element_type3A = arith.extui %and3A : i1 to i32
      %cond3A = arith.constant 0 : i32
      %cond3A_641 = arith.cmpi ne, %convert_element_type3A, %cond3A : i32
      scf.if %cond3A_641 {
        %add3A_642 = arith.constant 10240 : i32
        %add3A_643 = arith.addi %add3A_642, %mul3A_2 : i32
        %add3A_644 = arith.addi %add3A_643, %add3A_630 : i32
        %dma_start3A_645 = arith.constant 0 : i32
        %dma_start3A_646 = tpu.memref_slice %arg4[%add3A_644, %dma_start3A_645] : memref<32768x1024xf32, #tpu.memory_space<hbm>> -> memref<1x1024xf32, #tpu.memory_space<hbm>>
        %dma_start3A_647 = arith.constant 0 : i32
        %dma_start3A_648 = tpu.memref_slice %arg4[%add3A_644, %dma_start3A_647] : memref<32768x1024xf32, #tpu.memory_space<hbm>> -> memref<1x1024xf32, #tpu.memory_space<hbm>>
        tpu.enqueue_dma source(%arg12 : memref<1x1024xf32, #tpu.memory_space<vmem>>) target(%dma_start3A_648 : memref<1x1024xf32, #tpu.memory_space<hbm>>) target_semaphore(%arg29 : memref<!tpu.dma_semaphore, #tpu.memory_space<semaphore_mem>>)
      } else {
      }
    }
    %scan3A_385 = arith.constant 128 : i32
    %scan3A_386 = arith.constant 0 : i32
    %scan3A_387 = arith.constant 128 : i32
    %scan3A_388 = arith.addi %scan3A_386, %scan3A_387 : i32
    %scan3A_389 = arith.constant 1 : i32
    scf.for %scan3A_626 = %scan3A_386 to %scan3A_388 step %scan3A_389  : i32 {
      %mul3A_627 = arith.constant 1 : i32
      %mul3A_628 = arith.muli %scan3A_626, %mul3A_627 : i32
      %add3A_629 = arith.constant 0 : i32
      %add3A_630 = arith.addi %add3A_629, %mul3A_628 : i32
      %mul3A_631 = arith.constant 2 : i32
      %mul3A_632 = arith.muli %mul3A_631, %add3A_630 : i32
      %get3A_633 = arith.index_cast %mul3A_632 : i32 to index
      %get3A_634 = tpu.vector_load %arg11[%get3A_633] {strides = array<i32>} : memref<272xi32, #tpu.memory_space<vmem>>, vector<16xi32>,
      %get3A_635 = vector.shape_cast %get3A_634 : vector<16xi32> to vector<16xi32>
      %slice3A = vector.extract_strided_slice %get3A_635 {offsets = [0], sizes = [1], strides = [1]} : vector<16xi32> to vector<1xi32>
      %squeeze3A = vector.extract %slice3A[0] : i32 from vector<1xi32>
      %slice3A_636 = vector.extract_strided_slice %get3A_635 {offsets = [1], sizes = [1], strides = [1]} : vector<16xi32> to vector<1xi32>
      %squeeze3A_637 = vector.extract %slice3A_636[0] : i32 from vector<1xi32>
      %ne3A = arith.constant 6 : i32
      %ne3A_638 = arith.cmpi ne, %squeeze3A, %ne3A : i32
      %ne3A_639 = arith.constant 6 : i32
      %ne3A_640 = arith.cmpi ne, %squeeze3A_637, %ne3A_639 : i32
      %and3A = arith.andi %ne3A_638, %ne3A_640 : i1
      %convert_element_type3A = arith.extui %and3A : i1 to i32
      %cond3A = arith.constant 0 : i32
      %cond3A_641 = arith.cmpi ne, %convert_element_type3A, %cond3A : i32
      scf.if %cond3A_641 {
        %add3A_642 = arith.constant 12288 : i32
        %add3A_643 = arith.addi %add3A_642, %mul3A_2 : i32
        %add3A_644 = arith.addi %add3A_643, %add3A_630 : i32
        %dma_start3A_645 = arith.constant 0 : i32
        %dma_start3A_646 = tpu.memref_slice %arg4[%add3A_644, %dma_start3A_645] : memref<32768x1024xf32, #tpu.memory_space<hbm>> -> memref<1x1024xf32, #tpu.memory_space<hbm>>
        %dma_start3A_647 = arith.constant 0 : i32
        %dma_start3A_648 = tpu.memref_slice %arg4[%add3A_644, %dma_start3A_647] : memref<32768x1024xf32, #tpu.memory_space<hbm>> -> memref<1x1024xf32, #tpu.memory_space<hbm>>
        tpu.enqueue_dma source(%arg12 : memref<1x1024xf32, #tpu.memory_space<vmem>>) target(%dma_start3A_648 : memref<1x1024xf32, #tpu.memory_space<hbm>>) target_semaphore(%arg29 : memref<!tpu.dma_semaphore, #tpu.memory_space<semaphore_mem>>)
      } else {
      }
    }
    %scan3A_390 = arith.constant 128 : i32
    %scan3A_391 = arith.constant 0 : i32
    %scan3A_392 = arith.constant 128 : i32
    %scan3A_393 = arith.addi %scan3A_391, %scan3A_392 : i32
    %scan3A_394 = arith.constant 1 : i32
    scf.for %scan3A_626 = %scan3A_391 to %scan3A_393 step %scan3A_394  : i32 {
      %mul3A_627 = arith.constant 1 : i32
      %mul3A_628 = arith.muli %scan3A_626, %mul3A_627 : i32
      %add3A_629 = arith.constant 0 : i32
      %add3A_630 = arith.addi %add3A_629, %mul3A_628 : i32
      %mul3A_631 = arith.constant 2 : i32
      %mul3A_632 = arith.muli %mul3A_631, %add3A_630 : i32
      %get3A_633 = arith.index_cast %mul3A_632 : i32 to index
      %get3A_634 = tpu.vector_load %arg11[%get3A_633] {strides = array<i32>} : memref<272xi32, #tpu.memory_space<vmem>>, vector<16xi32>,
      %get3A_635 = vector.shape_cast %get3A_634 : vector<16xi32> to vector<16xi32>
      %slice3A = vector.extract_strided_slice %get3A_635 {offsets = [0], sizes = [1], strides = [1]} : vector<16xi32> to vector<1xi32>
      %squeeze3A = vector.extract %slice3A[0] : i32 from vector<1xi32>
      %slice3A_636 = vector.extract_strided_slice %get3A_635 {offsets = [1], sizes = [1], strides = [1]} : vector<16xi32> to vector<1xi32>
      %squeeze3A_637 = vector.extract %slice3A_636[0] : i32 from vector<1xi32>
      %ne3A = arith.constant 7 : i32
      %ne3A_638 = arith.cmpi ne, %squeeze3A, %ne3A : i32
      %ne3A_639 = arith.constant 7 : i32
      %ne3A_640 = arith.cmpi ne, %squeeze3A_637, %ne3A_639 : i32
      %and3A = arith.andi %ne3A_638, %ne3A_640 : i1
      %convert_element_type3A = arith.extui %and3A : i1 to i32
      %cond3A = arith.constant 0 : i32
      %cond3A_641 = arith.cmpi ne, %convert_element_type3A, %cond3A : i32
      scf.if %cond3A_641 {
        %add3A_642 = arith.constant 14336 : i32
        %add3A_643 = arith.addi %add3A_642, %mul3A_2 : i32
        %add3A_644 = arith.addi %add3A_643, %add3A_630 : i32
        %dma_start3A_645 = arith.constant 0 : i32
        %dma_start3A_646 = tpu.memref_slice %arg4[%add3A_644, %dma_start3A_645] : memref<32768x1024xf32, #tpu.memory_space<hbm>> -> memref<1x1024xf32, #tpu.memory_space<hbm>>
        %dma_start3A_647 = arith.constant 0 : i32
        %dma_start3A_648 = tpu.memref_slice %arg4[%add3A_644, %dma_start3A_647] : memref<32768x1024xf32, #tpu.memory_space<hbm>> -> memref<1x1024xf32, #tpu.memory_space<hbm>>
        tpu.enqueue_dma source(%arg12 : memref<1x1024xf32, #tpu.memory_space<vmem>>) target(%dma_start3A_648 : memref<1x1024xf32, #tpu.memory_space<hbm>>) target_semaphore(%arg29 : memref<!tpu.dma_semaphore, #tpu.memory_space<semaphore_mem>>)
      } else {
      }
    }
    %scan3A_395 = arith.constant 128 : i32
    %dma_wait3A = arith.constant 0 : i32
    %dma_wait3A_396 = tpu.memref_slice %arg2[%add3A_6, %dma_wait3A] : memref<8192x1024xf32, #tpu.memory_space<hbm>> -> memref<16x1024xf32, #tpu.memory_space<hbm>>
    %dma_wait3A_397 = arith.constant 0 : i32
    %dma_wait3A_398 = tpu.memref_slice %arg2[%add3A_6, %dma_wait3A_397] : memref<8192x1024xf32, #tpu.memory_space<hbm>> -> memref<16x1024xf32, #tpu.memory_space<hbm>>
    tpu.wait_dma2 semaphore(%arg30 : memref<!tpu.dma_semaphore, #tpu.memory_space<semaphore_mem>>) src(%dma_wait3A_398 : memref<16x1024xf32, #tpu.memory_space<hbm>>) dst(%arg5 : memref<16x1024xf32, #tpu.memory_space<vmem>>)
    %dma_start3A_399 = arith.constant 0 : i32
    %dma_start3A_400 = arith.constant 0 : i32
    %dma_start3A_401 = tpu.memref_slice %arg4[%dma_start3A_399, %dma_start3A_400] : memref<32768x1024xf32, #tpu.memory_space<hbm>> -> memref<32768x1024xf32, #tpu.memory_space<hbm>>
    tpu.enqueue_indirect_dma source(%arg5 : memref<16x1024xf32, #tpu.memory_space<vmem>>) target(%dma_start3A_401 : memref<32768x1024xf32, #tpu.memory_space<hbm>>) offsets(%arg13 : memref<16xi32, #tpu.memory_space<vmem>>) semaphore(%arg36 : memref<!tpu.dma_semaphore, #tpu.memory_space<semaphore_mem>>)
    %add3A_402 = arith.constant 80 : i32
    %add3A_403 = arith.addi %mul3A_4, %add3A_402 : i32
    %dma_start3A_404 = arith.constant 0 : i32
    %dma_start3A_405 = tpu.memref_slice %arg2[%add3A_403, %dma_start3A_404] : memref<8192x1024xf32, #tpu.memory_space<hbm>> -> memref<16x1024xf32, #tpu.memory_space<hbm>>
    %dma_start3A_406 = arith.constant 0 : i32
    %dma_start3A_407 = tpu.memref_slice %arg2[%add3A_403, %dma_start3A_406] : memref<8192x1024xf32, #tpu.memory_space<hbm>> -> memref<16x1024xf32, #tpu.memory_space<hbm>>
    tpu.enqueue_dma source(%dma_start3A_407 : memref<16x1024xf32, #tpu.memory_space<hbm>>) target(%arg10 : memref<16x1024xf32, #tpu.memory_space<vmem>>) target_semaphore(%arg35 : memref<!tpu.dma_semaphore, #tpu.memory_space<semaphore_mem>>)
    %dma_wait3A_408 = arith.constant 0 : i32
    %dma_wait3A_409 = tpu.memref_slice %arg2[%add3A_11, %dma_wait3A_408] : memref<8192x1024xf32, #tpu.memory_space<hbm>> -> memref<16x1024xf32, #tpu.memory_space<hbm>>
    %dma_wait3A_410 = arith.constant 0 : i32
    %dma_wait3A_411 = tpu.memref_slice %arg2[%add3A_11, %dma_wait3A_410] : memref<8192x1024xf32, #tpu.memory_space<hbm>> -> memref<16x1024xf32, #tpu.memory_space<hbm>>
    tpu.wait_dma2 semaphore(%arg31 : memref<!tpu.dma_semaphore, #tpu.memory_space<semaphore_mem>>) src(%dma_wait3A_411 : memref<16x1024xf32, #tpu.memory_space<hbm>>) dst(%arg6 : memref<16x1024xf32, #tpu.memory_space<vmem>>)
    %dma_start3A_412 = arith.constant 0 : i32
    %dma_start3A_413 = arith.constant 0 : i32
    %dma_start3A_414 = tpu.memref_slice %arg4[%dma_start3A_412, %dma_start3A_413] : memref<32768x1024xf32, #tpu.memory_space<hbm>> -> memref<32768x1024xf32, #tpu.memory_space<hbm>>
    tpu.enqueue_indirect_dma source(%arg6 : memref<16x1024xf32, #tpu.memory_space<vmem>>) target(%dma_start3A_414 : memref<32768x1024xf32, #tpu.memory_space<hbm>>) offsets(%arg14 : memref<16xi32, #tpu.memory_space<vmem>>) semaphore(%arg37 : memref<!tpu.dma_semaphore, #tpu.memory_space<semaphore_mem>>)
    %dma_wait3A_415 = arith.constant 0 : i32
    %dma_wait3A_416 = arith.constant 0 : i32
    %dma_wait3A_417 = tpu.memref_slice %arg4[%dma_wait3A_415, %dma_wait3A_416] : memref<32768x1024xf32, #tpu.memory_space<hbm>> -> memref<32768x1024xf32, #tpu.memory_space<hbm>>
    tpu.wait_indirect_dma semaphore(%arg36 : memref<!tpu.dma_semaphore, #tpu.memory_space<semaphore_mem>>) src(%arg5 : memref<16x1024xf32, #tpu.memory_space<vmem>>) dst(%dma_wait3A_417 : memref<32768x1024xf32, #tpu.memory_space<hbm>>)
    %add3A_418 = arith.constant 96 : i32
    %add3A_419 = arith.addi %mul3A_4, %add3A_418 : i32
    %dma_start3A_420 = arith.constant 0 : i32
    %dma_start3A_421 = tpu.memref_slice %arg2[%add3A_419, %dma_start3A_420] : memref<8192x1024xf32, #tpu.memory_space<hbm>> -> memref<16x1024xf32, #tpu.memory_space<hbm>>
    %dma_start3A_422 = arith.constant 0 : i32
    %dma_start3A_423 = tpu.memref_slice %arg2[%add3A_419, %dma_start3A_422] : memref<8192x1024xf32, #tpu.memory_space<hbm>> -> memref<16x1024xf32, #tpu.memory_space<hbm>>
    tpu.enqueue_dma source(%dma_start3A_423 : memref<16x1024xf32, #tpu.memory_space<hbm>>) target(%arg5 : memref<16x1024xf32, #tpu.memory_space<vmem>>) target_semaphore(%arg30 : memref<!tpu.dma_semaphore, #tpu.memory_space<semaphore_mem>>)
    %dma_wait3A_424 = arith.constant 0 : i32
    %dma_wait3A_425 = tpu.memref_slice %arg2[%add3A_17, %dma_wait3A_424] : memref<8192x1024xf32, #tpu.memory_space<hbm>> -> memref<16x1024xf32, #tpu.memory_space<hbm>>
    %dma_wait3A_426 = arith.constant 0 : i32
    %dma_wait3A_427 = tpu.memref_slice %arg2[%add3A_17, %dma_wait3A_426] : memref<8192x1024xf32, #tpu.memory_space<hbm>> -> memref<16x1024xf32, #tpu.memory_space<hbm>>
    tpu.wait_dma2 semaphore(%arg32 : memref<!tpu.dma_semaphore, #tpu.memory_space<semaphore_mem>>) src(%dma_wait3A_427 : memref<16x1024xf32, #tpu.memory_space<hbm>>) dst(%arg7 : memref<16x1024xf32, #tpu.memory_space<vmem>>)
    %dma_start3A_428 = arith.constant 0 : i32
    %dma_start3A_429 = arith.constant 0 : i32
    %dma_start3A_430 = tpu.memref_slice %arg4[%dma_start3A_428, %dma_start3A_429] : memref<32768x1024xf32, #tpu.memory_space<hbm>> -> memref<32768x1024xf32, #tpu.memory_space<hbm>>
    tpu.enqueue_indirect_dma source(%arg7 : memref<16x1024xf32, #tpu.memory_space<vmem>>) target(%dma_start3A_430 : memref<32768x1024xf32, #tpu.memory_space<hbm>>) offsets(%arg15 : memref<16xi32, #tpu.memory_space<vmem>>) semaphore(%arg38 : memref<!tpu.dma_semaphore, #tpu.memory_space<semaphore_mem>>)
    %dma_wait3A_431 = arith.constant 0 : i32
    %dma_wait3A_432 = arith.constant 0 : i32
    %dma_wait3A_433 = tpu.memref_slice %arg4[%dma_wait3A_431, %dma_wait3A_432] : memref<32768x1024xf32, #tpu.memory_space<hbm>> -> memref<32768x1024xf32, #tpu.memory_space<hbm>>
    tpu.wait_indirect_dma semaphore(%arg37 : memref<!tpu.dma_semaphore, #tpu.memory_space<semaphore_mem>>) src(%arg6 : memref<16x1024xf32, #tpu.memory_space<vmem>>) dst(%dma_wait3A_433 : memref<32768x1024xf32, #tpu.memory_space<hbm>>)
    %add3A_434 = arith.constant 112 : i32
    %add3A_435 = arith.addi %mul3A_4, %add3A_434 : i32
    %dma_start3A_436 = arith.constant 0 : i32
    %dma_start3A_437 = tpu.memref_slice %arg2[%add3A_435, %dma_start3A_436] : memref<8192x1024xf32, #tpu.memory_space<hbm>> -> memref<16x1024xf32, #tpu.memory_space<hbm>>
    %dma_start3A_438 = arith.constant 0 : i32
    %dma_start3A_439 = tpu.memref_slice %arg2[%add3A_435, %dma_start3A_438] : memref<8192x1024xf32, #tpu.memory_space<hbm>> -> memref<16x1024xf32, #tpu.memory_space<hbm>>
    tpu.enqueue_dma source(%dma_start3A_439 : memref<16x1024xf32, #tpu.memory_space<hbm>>) target(%arg6 : memref<16x1024xf32, #tpu.memory_space<vmem>>) target_semaphore(%arg31 : memref<!tpu.dma_semaphore, #tpu.memory_space<semaphore_mem>>)
    %dma_wait3A_440 = arith.constant 0 : i32
    %dma_wait3A_441 = tpu.memref_slice %arg2[%add3A_23, %dma_wait3A_440] : memref<8192x1024xf32, #tpu.memory_space<hbm>> -> memref<16x1024xf32, #tpu.memory_space<hbm>>
    %dma_wait3A_442 = arith.constant 0 : i32
    %dma_wait3A_443 = tpu.memref_slice %arg2[%add3A_23, %dma_wait3A_442] : memref<8192x1024xf32, #tpu.memory_space<hbm>> -> memref<16x1024xf32, #tpu.memory_space<hbm>>
    tpu.wait_dma2 semaphore(%arg33 : memref<!tpu.dma_semaphore, #tpu.memory_space<semaphore_mem>>) src(%dma_wait3A_443 : memref<16x1024xf32, #tpu.memory_space<hbm>>) dst(%arg8 : memref<16x1024xf32, #tpu.memory_space<vmem>>)
    %dma_start3A_444 = arith.constant 0 : i32
    %dma_start3A_445 = arith.constant 0 : i32
    %dma_start3A_446 = tpu.memref_slice %arg4[%dma_start3A_444, %dma_start3A_445] : memref<32768x1024xf32, #tpu.memory_space<hbm>> -> memref<32768x1024xf32, #tpu.memory_space<hbm>>
    tpu.enqueue_indirect_dma source(%arg8 : memref<16x1024xf32, #tpu.memory_space<vmem>>) target(%dma_start3A_446 : memref<32768x1024xf32, #tpu.memory_space<hbm>>) offsets(%arg16 : memref<16xi32, #tpu.memory_space<vmem>>) semaphore(%arg39 : memref<!tpu.dma_semaphore, #tpu.memory_space<semaphore_mem>>)
    %dma_wait3A_447 = arith.constant 0 : i32
    %dma_wait3A_448 = arith.constant 0 : i32
    %dma_wait3A_449 = tpu.memref_slice %arg4[%dma_wait3A_447, %dma_wait3A_448] : memref<32768x1024xf32, #tpu.memory_space<hbm>> -> memref<32768x1024xf32, #tpu.memory_space<hbm>>
    tpu.wait_indirect_dma semaphore(%arg38 : memref<!tpu.dma_semaphore, #tpu.memory_space<semaphore_mem>>) src(%arg7 : memref<16x1024xf32, #tpu.memory_space<vmem>>) dst(%dma_wait3A_449 : memref<32768x1024xf32, #tpu.memory_space<hbm>>)
    %add3A_450 = arith.constant 128 : i32
    %add3A_451 = arith.addi %mul3A_4, %add3A_450 : i32
    %dma_start3A_452 = arith.constant 0 : i32
    %dma_start3A_453 = tpu.memref_slice %arg2[%add3A_451, %dma_start3A_452] : memref<8192x1024xf32, #tpu.memory_space<hbm>> -> memref<16x1024xf32, #tpu.memory_space<hbm>>
    %dma_start3A_454 = arith.constant 0 : i32
    %dma_start3A_455 = tpu.memref_slice %arg2[%add3A_451, %dma_start3A_454] : memref<8192x1024xf32, #tpu.memory_space<hbm>> -> memref<16x1024xf32, #tpu.memory_space<hbm>>
    tpu.enqueue_dma source(%dma_start3A_455 : memref<16x1024xf32, #tpu.memory_space<hbm>>) target(%arg7 : memref<16x1024xf32, #tpu.memory_space<vmem>>) target_semaphore(%arg32 : memref<!tpu.dma_semaphore, #tpu.memory_space<semaphore_mem>>)
    %dma_wait3A_456 = arith.constant 0 : i32
    %dma_wait3A_457 = tpu.memref_slice %arg2[%add3A_29, %dma_wait3A_456] : memref<8192x1024xf32, #tpu.memory_space<hbm>> -> memref<16x1024xf32, #tpu.memory_space<hbm>>
    %dma_wait3A_458 = arith.constant 0 : i32
    %dma_wait3A_459 = tpu.memref_slice %arg2[%add3A_29, %dma_wait3A_458] : memref<8192x1024xf32, #tpu.memory_space<hbm>> -> memref<16x1024xf32, #tpu.memory_space<hbm>>
    tpu.wait_dma2 semaphore(%arg34 : memref<!tpu.dma_semaphore, #tpu.memory_space<semaphore_mem>>) src(%dma_wait3A_459 : memref<16x1024xf32, #tpu.memory_space<hbm>>) dst(%arg9 : memref<16x1024xf32, #tpu.memory_space<vmem>>)
    %dma_start3A_460 = arith.constant 0 : i32
    %dma_start3A_461 = arith.constant 0 : i32
    %dma_start3A_462 = tpu.memref_slice %arg4[%dma_start3A_460, %dma_start3A_461] : memref<32768x1024xf32, #tpu.memory_space<hbm>> -> memref<32768x1024xf32, #tpu.memory_space<hbm>>
    tpu.enqueue_indirect_dma source(%arg9 : memref<16x1024xf32, #tpu.memory_space<vmem>>) target(%dma_start3A_462 : memref<32768x1024xf32, #tpu.memory_space<hbm>>) offsets(%arg17 : memref<16xi32, #tpu.memory_space<vmem>>) semaphore(%arg40 : memref<!tpu.dma_semaphore, #tpu.memory_space<semaphore_mem>>)
    %dma_wait3A_463 = arith.constant 0 : i32
    %dma_wait3A_464 = arith.constant 0 : i32
    %dma_wait3A_465 = tpu.memref_slice %arg4[%dma_wait3A_463, %dma_wait3A_464] : memref<32768x1024xf32, #tpu.memory_space<hbm>> -> memref<32768x1024xf32, #tpu.memory_space<hbm>>
    tpu.wait_indirect_dma semaphore(%arg39 : memref<!tpu.dma_semaphore, #tpu.memory_space<semaphore_mem>>) src(%arg8 : memref<16x1024xf32, #tpu.memory_space<vmem>>) dst(%dma_wait3A_465 : memref<32768x1024xf32, #tpu.memory_space<hbm>>)
    %add3A_466 = arith.constant 144 : i32
    %add3A_467 = arith.addi %mul3A_4, %add3A_466 : i32
    %dma_start3A_468 = arith.constant 0 : i32
    %dma_start3A_469 = tpu.memref_slice %arg2[%add3A_467, %dma_start3A_468] : memref<8192x1024xf32, #tpu.memory_space<hbm>> -> memref<16x1024xf32, #tpu.memory_space<hbm>>
    %dma_start3A_470 = arith.constant 0 : i32
    %dma_start3A_471 = tpu.memref_slice %arg2[%add3A_467, %dma_start3A_470] : memref<8192x1024xf32, #tpu.memory_space<hbm>> -> memref<16x1024xf32, #tpu.memory_space<hbm>>
    tpu.enqueue_dma source(%dma_start3A_471 : memref<16x1024xf32, #tpu.memory_space<hbm>>) target(%arg8 : memref<16x1024xf32, #tpu.memory_space<vmem>>) target_semaphore(%arg33 : memref<!tpu.dma_semaphore, #tpu.memory_space<semaphore_mem>>)
    %dma_wait3A_472 = arith.constant 0 : i32
    %dma_wait3A_473 = tpu.memref_slice %arg2[%add3A_403, %dma_wait3A_472] : memref<8192x1024xf32, #tpu.memory_space<hbm>> -> memref<16x1024xf32, #tpu.memory_space<hbm>>
    %dma_wait3A_474 = arith.constant 0 : i32
    %dma_wait3A_475 = tpu.memref_slice %arg2[%add3A_403, %dma_wait3A_474] : memref<8192x1024xf32, #tpu.memory_space<hbm>> -> memref<16x1024xf32, #tpu.memory_space<hbm>>
    tpu.wait_dma2 semaphore(%arg35 : memref<!tpu.dma_semaphore, #tpu.memory_space<semaphore_mem>>) src(%dma_wait3A_475 : memref<16x1024xf32, #tpu.memory_space<hbm>>) dst(%arg10 : memref<16x1024xf32, #tpu.memory_space<vmem>>)
    %dma_start3A_476 = arith.constant 0 : i32
    %dma_start3A_477 = arith.constant 0 : i32
    %dma_start3A_478 = tpu.memref_slice %arg4[%dma_start3A_476, %dma_start3A_477] : memref<32768x1024xf32, #tpu.memory_space<hbm>> -> memref<32768x1024xf32, #tpu.memory_space<hbm>>
    tpu.enqueue_indirect_dma source(%arg10 : memref<16x1024xf32, #tpu.memory_space<vmem>>) target(%dma_start3A_478 : memref<32768x1024xf32, #tpu.memory_space<hbm>>) offsets(%arg18 : memref<16xi32, #tpu.memory_space<vmem>>) semaphore(%arg41 : memref<!tpu.dma_semaphore, #tpu.memory_space<semaphore_mem>>)
    %dma_wait3A_479 = arith.constant 0 : i32
    %dma_wait3A_480 = arith.constant 0 : i32
    %dma_wait3A_481 = tpu.memref_slice %arg4[%dma_wait3A_479, %dma_wait3A_480] : memref<32768x1024xf32, #tpu.memory_space<hbm>> -> memref<32768x1024xf32, #tpu.memory_space<hbm>>
    tpu.wait_indirect_dma semaphore(%arg40 : memref<!tpu.dma_semaphore, #tpu.memory_space<semaphore_mem>>) src(%arg9 : memref<16x1024xf32, #tpu.memory_space<vmem>>) dst(%dma_wait3A_481 : memref<32768x1024xf32, #tpu.memory_space<hbm>>)
    %add3A_482 = arith.constant 160 : i32
    %add3A_483 = arith.addi %mul3A_4, %add3A_482 : i32
    %dma_start3A_484 = arith.constant 0 : i32
    %dma_start3A_485 = tpu.memref_slice %arg2[%add3A_483, %dma_start3A_484] : memref<8192x1024xf32, #tpu.memory_space<hbm>> -> memref<16x1024xf32, #tpu.memory_space<hbm>>
    %dma_start3A_486 = arith.constant 0 : i32
    %dma_start3A_487 = tpu.memref_slice %arg2[%add3A_483, %dma_start3A_486] : memref<8192x1024xf32, #tpu.memory_space<hbm>> -> memref<16x1024xf32, #tpu.memory_space<hbm>>
    tpu.enqueue_dma source(%dma_start3A_487 : memref<16x1024xf32, #tpu.memory_space<hbm>>) target(%arg9 : memref<16x1024xf32, #tpu.memory_space<vmem>>) target_semaphore(%arg34 : memref<!tpu.dma_semaphore, #tpu.memory_space<semaphore_mem>>)
    %dma_wait3A_488 = arith.constant 0 : i32
    %dma_wait3A_489 = tpu.memref_slice %arg2[%add3A_419, %dma_wait3A_488] : memref<8192x1024xf32, #tpu.memory_space<hbm>> -> memref<16x1024xf32, #tpu.memory_space<hbm>>
    %dma_wait3A_490 = arith.constant 0 : i32
    %dma_wait3A_491 = tpu.memref_slice %arg2[%add3A_419, %dma_wait3A_490] : memref<8192x1024xf32, #tpu.memory_space<hbm>> -> memref<16x1024xf32, #tpu.memory_space<hbm>>
    tpu.wait_dma2 semaphore(%arg30 : memref<!tpu.dma_semaphore, #tpu.memory_space<semaphore_mem>>) src(%dma_wait3A_491 : memref<16x1024xf32, #tpu.memory_space<hbm>>) dst(%arg5 : memref<16x1024xf32, #tpu.memory_space<vmem>>)
    %dma_start3A_492 = arith.constant 0 : i32
    %dma_start3A_493 = arith.constant 0 : i32
    %dma_start3A_494 = tpu.memref_slice %arg4[%dma_start3A_492, %dma_start3A_493] : memref<32768x1024xf32, #tpu.memory_space<hbm>> -> memref<32768x1024xf32, #tpu.memory_space<hbm>>
    tpu.enqueue_indirect_dma source(%arg5 : memref<16x1024xf32, #tpu.memory_space<vmem>>) target(%dma_start3A_494 : memref<32768x1024xf32, #tpu.memory_space<hbm>>) offsets(%arg19 : memref<16xi32, #tpu.memory_space<vmem>>) semaphore(%arg36 : memref<!tpu.dma_semaphore, #tpu.memory_space<semaphore_mem>>)
    %dma_wait3A_495 = arith.constant 0 : i32
    %dma_wait3A_496 = arith.constant 0 : i32
    %dma_wait3A_497 = tpu.memref_slice %arg4[%dma_wait3A_495, %dma_wait3A_496] : memref<32768x1024xf32, #tpu.memory_space<hbm>> -> memref<32768x1024xf32, #tpu.memory_space<hbm>>
    tpu.wait_indirect_dma semaphore(%arg41 : memref<!tpu.dma_semaphore, #tpu.memory_space<semaphore_mem>>) src(%arg10 : memref<16x1024xf32, #tpu.memory_space<vmem>>) dst(%dma_wait3A_497 : memref<32768x1024xf32, #tpu.memory_space<hbm>>)
    %add3A_498 = arith.constant 176 : i32
    %add3A_499 = arith.addi %mul3A_4, %add3A_498 : i32
    %dma_start3A_500 = arith.constant 0 : i32
    %dma_start3A_501 = tpu.memref_slice %arg2[%add3A_499, %dma_start3A_500] : memref<8192x1024xf32, #tpu.memory_space<hbm>> -> memref<16x1024xf32, #tpu.memory_space<hbm>>
    %dma_start3A_502 = arith.constant 0 : i32
    %dma_start3A_503 = tpu.memref_slice %arg2[%add3A_499, %dma_start3A_502] : memref<8192x1024xf32, #tpu.memory_space<hbm>> -> memref<16x1024xf32, #tpu.memory_space<hbm>>
    tpu.enqueue_dma source(%dma_start3A_503 : memref<16x1024xf32, #tpu.memory_space<hbm>>) target(%arg10 : memref<16x1024xf32, #tpu.memory_space<vmem>>) target_semaphore(%arg35 : memref<!tpu.dma_semaphore, #tpu.memory_space<semaphore_mem>>)
    %dma_wait3A_504 = arith.constant 0 : i32
    %dma_wait3A_505 = tpu.memref_slice %arg2[%add3A_435, %dma_wait3A_504] : memref<8192x1024xf32, #tpu.memory_space<hbm>> -> memref<16x1024xf32, #tpu.memory_space<hbm>>
    %dma_wait3A_506 = arith.constant 0 : i32
    %dma_wait3A_507 = tpu.memref_slice %arg2[%add3A_435, %dma_wait3A_506] : memref<8192x1024xf32, #tpu.memory_space<hbm>> -> memref<16x1024xf32, #tpu.memory_space<hbm>>
    tpu.wait_dma2 semaphore(%arg31 : memref<!tpu.dma_semaphore, #tpu.memory_space<semaphore_mem>>) src(%dma_wait3A_507 : memref<16x1024xf32, #tpu.memory_space<hbm>>) dst(%arg6 : memref<16x1024xf32, #tpu.memory_space<vmem>>)
    %dma_start3A_508 = arith.constant 0 : i32
    %dma_start3A_509 = arith.constant 0 : i32
    %dma_start3A_510 = tpu.memref_slice %arg4[%dma_start3A_508, %dma_start3A_509] : memref<32768x1024xf32, #tpu.memory_space<hbm>> -> memref<32768x1024xf32, #tpu.memory_space<hbm>>
    tpu.enqueue_indirect_dma source(%arg6 : memref<16x1024xf32, #tpu.memory_space<vmem>>) target(%dma_start3A_510 : memref<32768x1024xf32, #tpu.memory_space<hbm>>) offsets(%arg20 : memref<16xi32, #tpu.memory_space<vmem>>) semaphore(%arg37 : memref<!tpu.dma_semaphore, #tpu.memory_space<semaphore_mem>>)
    %dma_wait3A_511 = arith.constant 0 : i32
    %dma_wait3A_512 = arith.constant 0 : i32
    %dma_wait3A_513 = tpu.memref_slice %arg4[%dma_wait3A_511, %dma_wait3A_512] : memref<32768x1024xf32, #tpu.memory_space<hbm>> -> memref<32768x1024xf32, #tpu.memory_space<hbm>>
    tpu.wait_indirect_dma semaphore(%arg36 : memref<!tpu.dma_semaphore, #tpu.memory_space<semaphore_mem>>) src(%arg5 : memref<16x1024xf32, #tpu.memory_space<vmem>>) dst(%dma_wait3A_513 : memref<32768x1024xf32, #tpu.memory_space<hbm>>)
    %add3A_514 = arith.constant 192 : i32
    %add3A_515 = arith.addi %mul3A_4, %add3A_514 : i32
    %dma_start3A_516 = arith.constant 0 : i32
    %dma_start3A_517 = tpu.memref_slice %arg2[%add3A_515, %dma_start3A_516] : memref<8192x1024xf32, #tpu.memory_space<hbm>> -> memref<16x1024xf32, #tpu.memory_space<hbm>>
    %dma_start3A_518 = arith.constant 0 : i32
    %dma_start3A_519 = tpu.memref_slice %arg2[%add3A_515, %dma_start3A_518] : memref<8192x1024xf32, #tpu.memory_space<hbm>> -> memref<16x1024xf32, #tpu.memory_space<hbm>>
    tpu.enqueue_dma source(%dma_start3A_519 : memref<16x1024xf32, #tpu.memory_space<hbm>>) target(%arg5 : memref<16x1024xf32, #tpu.memory_space<vmem>>) target_semaphore(%arg30 : memref<!tpu.dma_semaphore, #tpu.memory_space<semaphore_mem>>)
    %dma_wait3A_520 = arith.constant 0 : i32
    %dma_wait3A_521 = tpu.memref_slice %arg2[%add3A_451, %dma_wait3A_520] : memref<8192x1024xf32, #tpu.memory_space<hbm>> -> memref<16x1024xf32, #tpu.memory_space<hbm>>
    %dma_wait3A_522 = arith.constant 0 : i32
    %dma_wait3A_523 = tpu.memref_slice %arg2[%add3A_451, %dma_wait3A_522] : memref<8192x1024xf32, #tpu.memory_space<hbm>> -> memref<16x1024xf32, #tpu.memory_space<hbm>>
    tpu.wait_dma2 semaphore(%arg32 : memref<!tpu.dma_semaphore, #tpu.memory_space<semaphore_mem>>) src(%dma_wait3A_523 : memref<16x1024xf32, #tpu.memory_space<hbm>>) dst(%arg7 : memref<16x1024xf32, #tpu.memory_space<vmem>>)
    %dma_start3A_524 = arith.constant 0 : i32
    %dma_start3A_525 = arith.constant 0 : i32
    %dma_start3A_526 = tpu.memref_slice %arg4[%dma_start3A_524, %dma_start3A_525] : memref<32768x1024xf32, #tpu.memory_space<hbm>> -> memref<32768x1024xf32, #tpu.memory_space<hbm>>
    tpu.enqueue_indirect_dma source(%arg7 : memref<16x1024xf32, #tpu.memory_space<vmem>>) target(%dma_start3A_526 : memref<32768x1024xf32, #tpu.memory_space<hbm>>) offsets(%arg21 : memref<16xi32, #tpu.memory_space<vmem>>) semaphore(%arg38 : memref<!tpu.dma_semaphore, #tpu.memory_space<semaphore_mem>>)
    %dma_wait3A_527 = arith.constant 0 : i32
    %dma_wait3A_528 = arith.constant 0 : i32
    %dma_wait3A_529 = tpu.memref_slice %arg4[%dma_wait3A_527, %dma_wait3A_528] : memref<32768x1024xf32, #tpu.memory_space<hbm>> -> memref<32768x1024xf32, #tpu.memory_space<hbm>>
    tpu.wait_indirect_dma semaphore(%arg37 : memref<!tpu.dma_semaphore, #tpu.memory_space<semaphore_mem>>) src(%arg6 : memref<16x1024xf32, #tpu.memory_space<vmem>>) dst(%dma_wait3A_529 : memref<32768x1024xf32, #tpu.memory_space<hbm>>)
    %add3A_530 = arith.constant 208 : i32
    %add3A_531 = arith.addi %mul3A_4, %add3A_530 : i32
    %dma_start3A_532 = arith.constant 0 : i32
    %dma_start3A_533 = tpu.memref_slice %arg2[%add3A_531, %dma_start3A_532] : memref<8192x1024xf32, #tpu.memory_space<hbm>> -> memref<16x1024xf32, #tpu.memory_space<hbm>>
    %dma_start3A_534 = arith.constant 0 : i32
    %dma_start3A_535 = tpu.memref_slice %arg2[%add3A_531, %dma_start3A_534] : memref<8192x1024xf32, #tpu.memory_space<hbm>> -> memref<16x1024xf32, #tpu.memory_space<hbm>>
    tpu.enqueue_dma source(%dma_start3A_535 : memref<16x1024xf32, #tpu.memory_space<hbm>>) target(%arg6 : memref<16x1024xf32, #tpu.memory_space<vmem>>) target_semaphore(%arg31 : memref<!tpu.dma_semaphore, #tpu.memory_space<semaphore_mem>>)
    %dma_wait3A_536 = arith.constant 0 : i32
    %dma_wait3A_537 = tpu.memref_slice %arg2[%add3A_467, %dma_wait3A_536] : memref<8192x1024xf32, #tpu.memory_space<hbm>> -> memref<16x1024xf32, #tpu.memory_space<hbm>>
    %dma_wait3A_538 = arith.constant 0 : i32
    %dma_wait3A_539 = tpu.memref_slice %arg2[%add3A_467, %dma_wait3A_538] : memref<8192x1024xf32, #tpu.memory_space<hbm>> -> memref<16x1024xf32, #tpu.memory_space<hbm>>
    tpu.wait_dma2 semaphore(%arg33 : memref<!tpu.dma_semaphore, #tpu.memory_space<semaphore_mem>>) src(%dma_wait3A_539 : memref<16x1024xf32, #tpu.memory_space<hbm>>) dst(%arg8 : memref<16x1024xf32, #tpu.memory_space<vmem>>)
    %dma_start3A_540 = arith.constant 0 : i32
    %dma_start3A_541 = arith.constant 0 : i32
    %dma_start3A_542 = tpu.memref_slice %arg4[%dma_start3A_540, %dma_start3A_541] : memref<32768x1024xf32, #tpu.memory_space<hbm>> -> memref<32768x1024xf32, #tpu.memory_space<hbm>>
    tpu.enqueue_indirect_dma source(%arg8 : memref<16x1024xf32, #tpu.memory_space<vmem>>) target(%dma_start3A_542 : memref<32768x1024xf32, #tpu.memory_space<hbm>>) offsets(%arg22 : memref<16xi32, #tpu.memory_space<vmem>>) semaphore(%arg39 : memref<!tpu.dma_semaphore, #tpu.memory_space<semaphore_mem>>)
    %dma_wait3A_543 = arith.constant 0 : i32
    %dma_wait3A_544 = arith.constant 0 : i32
    %dma_wait3A_545 = tpu.memref_slice %arg4[%dma_wait3A_543, %dma_wait3A_544] : memref<32768x1024xf32, #tpu.memory_space<hbm>> -> memref<32768x1024xf32, #tpu.memory_space<hbm>>
    tpu.wait_indirect_dma semaphore(%arg38 : memref<!tpu.dma_semaphore, #tpu.memory_space<semaphore_mem>>) src(%arg7 : memref<16x1024xf32, #tpu.memory_space<vmem>>) dst(%dma_wait3A_545 : memref<32768x1024xf32, #tpu.memory_space<hbm>>)
    %add3A_546 = arith.constant 224 : i32
    %add3A_547 = arith.addi %mul3A_4, %add3A_546 : i32
    %dma_start3A_548 = arith.constant 0 : i32
    %dma_start3A_549 = tpu.memref_slice %arg2[%add3A_547, %dma_start3A_548] : memref<8192x1024xf32, #tpu.memory_space<hbm>> -> memref<16x1024xf32, #tpu.memory_space<hbm>>
    %dma_start3A_550 = arith.constant 0 : i32
    %dma_start3A_551 = tpu.memref_slice %arg2[%add3A_547, %dma_start3A_550] : memref<8192x1024xf32, #tpu.memory_space<hbm>> -> memref<16x1024xf32, #tpu.memory_space<hbm>>
    tpu.enqueue_dma source(%dma_start3A_551 : memref<16x1024xf32, #tpu.memory_space<hbm>>) target(%arg7 : memref<16x1024xf32, #tpu.memory_space<vmem>>) target_semaphore(%arg32 : memref<!tpu.dma_semaphore, #tpu.memory_space<semaphore_mem>>)
    %dma_wait3A_552 = arith.constant 0 : i32
    %dma_wait3A_553 = tpu.memref_slice %arg2[%add3A_483, %dma_wait3A_552] : memref<8192x1024xf32, #tpu.memory_space<hbm>> -> memref<16x1024xf32, #tpu.memory_space<hbm>>
    %dma_wait3A_554 = arith.constant 0 : i32
    %dma_wait3A_555 = tpu.memref_slice %arg2[%add3A_483, %dma_wait3A_554] : memref<8192x1024xf32, #tpu.memory_space<hbm>> -> memref<16x1024xf32, #tpu.memory_space<hbm>>
    tpu.wait_dma2 semaphore(%arg34 : memref<!tpu.dma_semaphore, #tpu.memory_space<semaphore_mem>>) src(%dma_wait3A_555 : memref<16x1024xf32, #tpu.memory_space<hbm>>) dst(%arg9 : memref<16x1024xf32, #tpu.memory_space<vmem>>)
    %dma_start3A_556 = arith.constant 0 : i32
    %dma_start3A_557 = arith.constant 0 : i32
    %dma_start3A_558 = tpu.memref_slice %arg4[%dma_start3A_556, %dma_start3A_557] : memref<32768x1024xf32, #tpu.memory_space<hbm>> -> memref<32768x1024xf32, #tpu.memory_space<hbm>>
    tpu.enqueue_indirect_dma source(%arg9 : memref<16x1024xf32, #tpu.memory_space<vmem>>) target(%dma_start3A_558 : memref<32768x1024xf32, #tpu.memory_space<hbm>>) offsets(%arg23 : memref<16xi32, #tpu.memory_space<vmem>>) semaphore(%arg40 : memref<!tpu.dma_semaphore, #tpu.memory_space<semaphore_mem>>)
    %dma_wait3A_559 = arith.constant 0 : i32
    %dma_wait3A_560 = arith.constant 0 : i32
    %dma_wait3A_561 = tpu.memref_slice %arg4[%dma_wait3A_559, %dma_wait3A_560] : memref<32768x1024xf32, #tpu.memory_space<hbm>> -> memref<32768x1024xf32, #tpu.memory_space<hbm>>
    tpu.wait_indirect_dma semaphore(%arg39 : memref<!tpu.dma_semaphore, #tpu.memory_space<semaphore_mem>>) src(%arg8 : memref<16x1024xf32, #tpu.memory_space<vmem>>) dst(%dma_wait3A_561 : memref<32768x1024xf32, #tpu.memory_space<hbm>>)
    %add3A_562 = arith.constant 240 : i32
    %add3A_563 = arith.addi %mul3A_4, %add3A_562 : i32
    %dma_start3A_564 = arith.constant 0 : i32
    %dma_start3A_565 = tpu.memref_slice %arg2[%add3A_563, %dma_start3A_564] : memref<8192x1024xf32, #tpu.memory_space<hbm>> -> memref<16x1024xf32, #tpu.memory_space<hbm>>
    %dma_start3A_566 = arith.constant 0 : i32
    %dma_start3A_567 = tpu.memref_slice %arg2[%add3A_563, %dma_start3A_566] : memref<8192x1024xf32, #tpu.memory_space<hbm>> -> memref<16x1024xf32, #tpu.memory_space<hbm>>
    tpu.enqueue_dma source(%dma_start3A_567 : memref<16x1024xf32, #tpu.memory_space<hbm>>) target(%arg8 : memref<16x1024xf32, #tpu.memory_space<vmem>>) target_semaphore(%arg33 : memref<!tpu.dma_semaphore, #tpu.memory_space<semaphore_mem>>)
    %dma_wait3A_568 = arith.constant 0 : i32
    %dma_wait3A_569 = tpu.memref_slice %arg2[%add3A_499, %dma_wait3A_568] : memref<8192x1024xf32, #tpu.memory_space<hbm>> -> memref<16x1024xf32, #tpu.memory_space<hbm>>
    %dma_wait3A_570 = arith.constant 0 : i32
    %dma_wait3A_571 = tpu.memref_slice %arg2[%add3A_499, %dma_wait3A_570] : memref<8192x1024xf32, #tpu.memory_space<hbm>> -> memref<16x1024xf32, #tpu.memory_space<hbm>>
    tpu.wait_dma2 semaphore(%arg35 : memref<!tpu.dma_semaphore, #tpu.memory_space<semaphore_mem>>) src(%dma_wait3A_571 : memref<16x1024xf32, #tpu.memory_space<hbm>>) dst(%arg10 : memref<16x1024xf32, #tpu.memory_space<vmem>>)
    %dma_start3A_572 = arith.constant 0 : i32
    %dma_start3A_573 = arith.constant 0 : i32
    %dma_start3A_574 = tpu.memref_slice %arg4[%dma_start3A_572, %dma_start3A_573] : memref<32768x1024xf32, #tpu.memory_space<hbm>> -> memref<32768x1024xf32, #tpu.memory_space<hbm>>
    tpu.enqueue_indirect_dma source(%arg10 : memref<16x1024xf32, #tpu.memory_space<vmem>>) target(%dma_start3A_574 : memref<32768x1024xf32, #tpu.memory_space<hbm>>) offsets(%arg24 : memref<16xi32, #tpu.memory_space<vmem>>) semaphore(%arg41 : memref<!tpu.dma_semaphore, #tpu.memory_space<semaphore_mem>>)
    %dma_wait3A_575 = arith.constant 0 : i32
    %dma_wait3A_576 = tpu.memref_slice %arg2[%add3A_515, %dma_wait3A_575] : memref<8192x1024xf32, #tpu.memory_space<hbm>> -> memref<16x1024xf32, #tpu.memory_space<hbm>>
    %dma_wait3A_577 = arith.constant 0 : i32
    %dma_wait3A_578 = tpu.memref_slice %arg2[%add3A_515, %dma_wait3A_577] : memref<8192x1024xf32, #tpu.memory_space<hbm>> -> memref<16x1024xf32, #tpu.memory_space<hbm>>
    tpu.wait_dma2 semaphore(%arg30 : memref<!tpu.dma_semaphore, #tpu.memory_space<semaphore_mem>>) src(%dma_wait3A_578 : memref<16x1024xf32, #tpu.memory_space<hbm>>) dst(%arg5 : memref<16x1024xf32, #tpu.memory_space<vmem>>)
    %dma_start3A_579 = arith.constant 0 : i32
    %dma_start3A_580 = arith.constant 0 : i32
    %dma_start3A_581 = tpu.memref_slice %arg4[%dma_start3A_579, %dma_start3A_580] : memref<32768x1024xf32, #tpu.memory_space<hbm>> -> memref<32768x1024xf32, #tpu.memory_space<hbm>>
    tpu.enqueue_indirect_dma source(%arg5 : memref<16x1024xf32, #tpu.memory_space<vmem>>) target(%dma_start3A_581 : memref<32768x1024xf32, #tpu.memory_space<hbm>>) offsets(%arg25 : memref<16xi32, #tpu.memory_space<vmem>>) semaphore(%arg36 : memref<!tpu.dma_semaphore, #tpu.memory_space<semaphore_mem>>)
    %dma_wait3A_582 = arith.constant 0 : i32
    %dma_wait3A_583 = tpu.memref_slice %arg2[%add3A_531, %dma_wait3A_582] : memref<8192x1024xf32, #tpu.memory_space<hbm>> -> memref<16x1024xf32, #tpu.memory_space<hbm>>
    %dma_wait3A_584 = arith.constant 0 : i32
    %dma_wait3A_585 = tpu.memref_slice %arg2[%add3A_531, %dma_wait3A_584] : memref<8192x1024xf32, #tpu.memory_space<hbm>> -> memref<16x1024xf32, #tpu.memory_space<hbm>>
    tpu.wait_dma2 semaphore(%arg31 : memref<!tpu.dma_semaphore, #tpu.memory_space<semaphore_mem>>) src(%dma_wait3A_585 : memref<16x1024xf32, #tpu.memory_space<hbm>>) dst(%arg6 : memref<16x1024xf32, #tpu.memory_space<vmem>>)
    %dma_start3A_586 = arith.constant 0 : i32
    %dma_start3A_587 = arith.constant 0 : i32
    %dma_start3A_588 = tpu.memref_slice %arg4[%dma_start3A_586, %dma_start3A_587] : memref<32768x1024xf32, #tpu.memory_space<hbm>> -> memref<32768x1024xf32, #tpu.memory_space<hbm>>
    tpu.enqueue_indirect_dma source(%arg6 : memref<16x1024xf32, #tpu.memory_space<vmem>>) target(%dma_start3A_588 : memref<32768x1024xf32, #tpu.memory_space<hbm>>) offsets(%arg26 : memref<16xi32, #tpu.memory_space<vmem>>) semaphore(%arg37 : memref<!tpu.dma_semaphore, #tpu.memory_space<semaphore_mem>>)
    %dma_wait3A_589 = arith.constant 0 : i32
    %dma_wait3A_590 = tpu.memref_slice %arg2[%add3A_547, %dma_wait3A_589] : memref<8192x1024xf32, #tpu.memory_space<hbm>> -> memref<16x1024xf32, #tpu.memory_space<hbm>>
    %dma_wait3A_591 = arith.constant 0 : i32
    %dma_wait3A_592 = tpu.memref_slice %arg2[%add3A_547, %dma_wait3A_591] : memref<8192x1024xf32, #tpu.memory_space<hbm>> -> memref<16x1024xf32, #tpu.memory_space<hbm>>
    tpu.wait_dma2 semaphore(%arg32 : memref<!tpu.dma_semaphore, #tpu.memory_space<semaphore_mem>>) src(%dma_wait3A_592 : memref<16x1024xf32, #tpu.memory_space<hbm>>) dst(%arg7 : memref<16x1024xf32, #tpu.memory_space<vmem>>)
    %dma_start3A_593 = arith.constant 0 : i32
    %dma_start3A_594 = arith.constant 0 : i32
    %dma_start3A_595 = tpu.memref_slice %arg4[%dma_start3A_593, %dma_start3A_594] : memref<32768x1024xf32, #tpu.memory_space<hbm>> -> memref<32768x1024xf32, #tpu.memory_space<hbm>>
    tpu.enqueue_indirect_dma source(%arg7 : memref<16x1024xf32, #tpu.memory_space<vmem>>) target(%dma_start3A_595 : memref<32768x1024xf32, #tpu.memory_space<hbm>>) offsets(%arg27 : memref<16xi32, #tpu.memory_space<vmem>>) semaphore(%arg38 : memref<!tpu.dma_semaphore, #tpu.memory_space<semaphore_mem>>)
    %dma_wait3A_596 = arith.constant 0 : i32
    %dma_wait3A_597 = tpu.memref_slice %arg2[%add3A_563, %dma_wait3A_596] : memref<8192x1024xf32, #tpu.memory_space<hbm>> -> memref<16x1024xf32, #tpu.memory_space<hbm>>
    %dma_wait3A_598 = arith.constant 0 : i32
    %dma_wait3A_599 = tpu.memref_slice %arg2[%add3A_563, %dma_wait3A_598] : memref<8192x1024xf32, #tpu.memory_space<hbm>> -> memref<16x1024xf32, #tpu.memory_space<hbm>>
    tpu.wait_dma2 semaphore(%arg33 : memref<!tpu.dma_semaphore, #tpu.memory_space<semaphore_mem>>) src(%dma_wait3A_599 : memref<16x1024xf32, #tpu.memory_space<hbm>>) dst(%arg8 : memref<16x1024xf32, #tpu.memory_space<vmem>>)
    %dma_start3A_600 = arith.constant 0 : i32
    %dma_start3A_601 = arith.constant 0 : i32
    %dma_start3A_602 = tpu.memref_slice %arg4[%dma_start3A_600, %dma_start3A_601] : memref<32768x1024xf32, #tpu.memory_space<hbm>> -> memref<32768x1024xf32, #tpu.memory_space<hbm>>
    tpu.enqueue_indirect_dma source(%arg8 : memref<16x1024xf32, #tpu.memory_space<vmem>>) target(%dma_start3A_602 : memref<32768x1024xf32, #tpu.memory_space<hbm>>) offsets(%arg28 : memref<16xi32, #tpu.memory_space<vmem>>) semaphore(%arg39 : memref<!tpu.dma_semaphore, #tpu.memory_space<semaphore_mem>>)
    %dma_wait3A_603 = arith.constant 0 : i32
    %dma_wait3A_604 = arith.constant 0 : i32
    %dma_wait3A_605 = tpu.memref_slice %arg4[%dma_wait3A_603, %dma_wait3A_604] : memref<32768x1024xf32, #tpu.memory_space<hbm>> -> memref<32768x1024xf32, #tpu.memory_space<hbm>>
    tpu.wait_indirect_dma semaphore(%arg36 : memref<!tpu.dma_semaphore, #tpu.memory_space<semaphore_mem>>) src(%arg5 : memref<16x1024xf32, #tpu.memory_space<vmem>>) dst(%dma_wait3A_605 : memref<32768x1024xf32, #tpu.memory_space<hbm>>)
    %dma_wait3A_606 = arith.constant 0 : i32
    %dma_wait3A_607 = arith.constant 0 : i32
    %dma_wait3A_608 = tpu.memref_slice %arg4[%dma_wait3A_606, %dma_wait3A_607] : memref<32768x1024xf32, #tpu.memory_space<hbm>> -> memref<32768x1024xf32, #tpu.memory_space<hbm>>
    tpu.wait_indirect_dma semaphore(%arg37 : memref<!tpu.dma_semaphore, #tpu.memory_space<semaphore_mem>>) src(%arg6 : memref<16x1024xf32, #tpu.memory_space<vmem>>) dst(%dma_wait3A_608 : memref<32768x1024xf32, #tpu.memory_space<hbm>>)
    %dma_wait3A_609 = arith.constant 0 : i32
    %dma_wait3A_610 = arith.constant 0 : i32
    %dma_wait3A_611 = tpu.memref_slice %arg4[%dma_wait3A_609, %dma_wait3A_610] : memref<32768x1024xf32, #tpu.memory_space<hbm>> -> memref<32768x1024xf32, #tpu.memory_space<hbm>>
    tpu.wait_indirect_dma semaphore(%arg38 : memref<!tpu.dma_semaphore, #tpu.memory_space<semaphore_mem>>) src(%arg7 : memref<16x1024xf32, #tpu.memory_space<vmem>>) dst(%dma_wait3A_611 : memref<32768x1024xf32, #tpu.memory_space<hbm>>)
    %dma_wait3A_612 = arith.constant 0 : i32
    %dma_wait3A_613 = arith.constant 0 : i32
    %dma_wait3A_614 = tpu.memref_slice %arg4[%dma_wait3A_612, %dma_wait3A_613] : memref<32768x1024xf32, #tpu.memory_space<hbm>> -> memref<32768x1024xf32, #tpu.memory_space<hbm>>
    tpu.wait_indirect_dma semaphore(%arg39 : memref<!tpu.dma_semaphore, #tpu.memory_space<semaphore_mem>>) src(%arg8 : memref<16x1024xf32, #tpu.memory_space<vmem>>) dst(%dma_wait3A_614 : memref<32768x1024xf32, #tpu.memory_space<hbm>>)
    %dma_wait3A_615 = arith.constant 0 : i32
    %dma_wait3A_616 = arith.constant 0 : i32
    %dma_wait3A_617 = tpu.memref_slice %arg4[%dma_wait3A_615, %dma_wait3A_616] : memref<32768x1024xf32, #tpu.memory_space<hbm>> -> memref<32768x1024xf32, #tpu.memory_space<hbm>>
    tpu.wait_indirect_dma semaphore(%arg40 : memref<!tpu.dma_semaphore, #tpu.memory_space<semaphore_mem>>) src(%arg9 : memref<16x1024xf32, #tpu.memory_space<vmem>>) dst(%dma_wait3A_617 : memref<32768x1024xf32, #tpu.memory_space<hbm>>)
    %dma_wait3A_618 = arith.constant 0 : i32
    %dma_wait3A_619 = arith.constant 0 : i32
    %dma_wait3A_620 = tpu.memref_slice %arg4[%dma_wait3A_618, %dma_wait3A_619] : memref<32768x1024xf32, #tpu.memory_space<hbm>> -> memref<32768x1024xf32, #tpu.memory_space<hbm>>
    tpu.wait_indirect_dma semaphore(%arg41 : memref<!tpu.dma_semaphore, #tpu.memory_space<semaphore_mem>>) src(%arg10 : memref<16x1024xf32, #tpu.memory_space<vmem>>) dst(%dma_wait3A_620 : memref<32768x1024xf32, #tpu.memory_space<hbm>>)
    %scan3A_621 = arith.constant 0 : i32
    %scan3A_622 = arith.constant 48 : i32
    %scan3A_623 = arith.addi %scan3A_621, %scan3A_622 : i32
    %scan3A_624 = arith.constant 1 : i32
    scf.for %scan3A_626 = %scan3A_621 to %scan3A_623 step %scan3A_624  : i32 {
      %mul3A_627 = arith.constant 1 : i32
      %mul3A_628 = arith.muli %scan3A_626, %mul3A_627 : i32
      %add3A_629 = arith.constant 0 : i32
      %add3A_630 = arith.addi %add3A_629, %mul3A_628 : i32
      %dma_wait3A_631 = arith.constant 0 : i32
      %dma_wait3A_632 = arith.constant 0 : i32
      %dma_wait3A_633 = tpu.memref_slice %arg4[%dma_wait3A_631, %dma_wait3A_632] : memref<32768x1024xf32, #tpu.memory_space<hbm>> -> memref<16x1024xf32, #tpu.memory_space<hbm>>
      %dma_wait3A_634 = arith.constant 0 : i32
      %dma_wait3A_635 = arith.constant 0 : i32
      %dma_wait3A_636 = tpu.memref_slice %arg4[%dma_wait3A_634, %dma_wait3A_635] : memref<32768x1024xf32, #tpu.memory_space<hbm>> -> memref<16x1024xf32, #tpu.memory_space<hbm>>
      tpu.wait_dma2 semaphore(%arg29 : memref<!tpu.dma_semaphore, #tpu.memory_space<semaphore_mem>>) src(%dma_wait3A_636 : memref<16x1024xf32, #tpu.memory_space<hbm>>) dst(%arg5 : memref<16x1024xf32, #tpu.memory_space<vmem>>)
    }
    %scan3A_625 = arith.constant 48 : i32
    return
  }
}

</mosaic_0001>

<sc_bundles>
// kernel: kernel.3.cloned.1.call-start
scs
__scs_entry_jumppad:
0x0: {  	(pc) =	sbr.rel $0x88, $3  }
0x1: {  	(tag) =	ssettag $0x0;
	lr =	simm.s32 $0x1  }
0x2: {  	[smem:$0x3F9F] =	sst lr;
	_ =	strace $0xD0000000  }
0x3: {  	_ = 	snop  }
0x4: {  	_ = 	snop  }
0x5: {  	_ = 	snop  }
0x6: {  	_ = 	snop  }
0x7: {  	_ = 	snop  }
__scs_overlays_trampoline_lowered:
0x8: {  	[smem:$0x3FAE] =	sst s0  }
0x9: {  	[smem:$0x3FAF] =	sst s1  }
0xa: {  	[smem:$0x3FB0] =	sst s2  }
0xb: {  	[smem:$0x3FB1] =	sst s3  }
0xc: {  	[smem:$0x3FB2] =	sst s4  }
0xd: {  	[smem:$0x3FB3] =	sst s5  }
0xe: {  	[smem:$0x3FB4] =	sst s6  }
0xf: {  	[smem:$0x3FB5] =	sst s7  }
0x10: {  	[smem:$0x3FB6] =	sst s8  }
0x11: {  	[smem:$0x3FB7] =	sst s9;
	s0 =	simm.s32 @!p0 $0x0  }
0x12: {  	s1 =	sld [smem:$0x3F9D];
	s0 =	simm.s32 @p0 $0x1  }
0x13: {  	[smem:$0x3FB8] =	sst s0;
	s0 =	simm.s32 @!p1 $0x0  }
0x14: {  	s2 =	sld [smem:$0x3F9C];
	s0 =	simm.s32 @p1 $0x1  }
0x15: {  	[smem:$0x3FB9] =	sst s0;
	s0 =	simm.s32 @!p2 $0x0  }
0x16: {  	s3 =	sld [smem:$0x3FDB];
	s0 =	simm.s32 @p2 $0x1  }
0x17: {  	s4 =	simm.s32 $0x1BF5;
	[smem:$0x3FBB] =	sst s0  }
0x18: {  	s0 =	sld [smem:$0x3F9E];
	_ =	swait.ge [sflag:s4], $0x0  }
0x19: {  	s7 =	sld [smem:$0x3F9F]  }
0x1a: {  	s8 =	sadd.s32 $0xFFFFE003, lr  }
0x1b: {  	s9 =	sadd.s32 $0xFFFFFEF7, lr;
	s5 =	simm.s32 $0xFFFFFFFF;
	p2 =	slt.u32 s8, $0xFFFFF086  }
0x1c: {  	p1 =	slt.u32 s9, $0xF7A;
	s5 =	simm.s32 @!p2 $0x0  }
0x1d: {  	s5 =	simm.s32 @p1 $0x1;
	p0 =	seq.s32 s7, s2  }
0x1e: {  	s7 =	smul.u32 @!p0 $0xF7A, s2;
	p2 =	seq.s32 @!p0 s5, $0x0  }
0x1f: {  	s9 =	smul.u32 $0xF7A, s1;
	s8 =	simm.s32 @!p0 $0x1BF5;
	p2 =	por !p2, p0  }
0x20: {  	[sflag:s8] =	ssyncset.s32 @!p0 $0xFFFFF086;
	s6 =	sadd.s32 @!p0 s3, s7;
	s7 =	simm.s32 @!p0 $0x108  }
0x21: {  	s3 =	sadd.s32 s3, s9;
	s6 =	sadd.s32 @!p0 $0x88, s6;
	s7 =	simm.s32 @p2 $0x1082  }
0x22: {  	[simem:s7], [sflag:s8] =	dma.local @!p0 [hbm:s6], $0xF7A  }
0x23: {  	s9 =	sor.u32 $0xD0000000, s2;
	s6 =	simm.s32 $0x108;
	_ =	swait.ge @!p0 [sflag:s8], $0x0  }
0x24: {  	s3 =	sadd.s32 $0x88, s3;
	s6 =	simm.s32 @!p1 $0x1082;
	[sflag:s4] =	ssyncset.s32 $0xFFFFF086  }
0x25: {  	[simem:s6], [sflag:s4] =	dma.local [hbm:s3], $0xF7A  }
0x26: {  	[smem:$0x3F9F] =	sst s1;
	(tag) =	ssettag s2;
	_ =	strace s9  }
0x27: {  	s1 =	sld [smem:$0x3FAF]  }
0x28: {  	s2 =	sld [smem:$0x3FB0]  }
0x29: {  	s4 =	sld [smem:$0x3FB2]  }
0x2a: {  	p0 =	seq.s32 s5, $0x0;
	s5 =	sld [smem:$0x3FB3]  }
0x2b: {  	s6 =	sld [smem:$0x3FB4]  }
0x2c: {  	s7 =	sld [smem:$0x3FB5]  }
0x2d: {  	s3 =	simm.s32 $0x108;
	s8 =	sld [smem:$0x3FB6]  }
0x2e: {  	s3 =	simm.s32 @!p0 $0x1082;
	s9 =	sld [smem:$0x3FB7]  }
0x2f: {  	lr =	sadd.s32 s0, s3;
	s0 =	sld [smem:$0x3FAE]  }
0x30: {  	s3 =	sld [smem:$0x3FB1]  }
0x31: {  	[smem:$0x3FBA] =	sst s10  }
0x32: {  	s10 =	sld [smem:$0x3FB8];
	_ =	sdelay $0x3  }
0x33: {  	p0 =	seq.s32 s10, $0x1;
	s10 =	sld [smem:$0x3FBA];
	_ =	sdelay $0x3  }
0x34: {  	[smem:$0x3FBA] =	sst s10  }
0x35: {  	s10 =	sld [smem:$0x3FB9];
	_ =	sdelay $0x3  }
0x36: {  	p1 =	seq.s32 s10, $0x1;
	s10 =	sld [smem:$0x3FBA];
	_ =	sdelay $0x3  }
0x37: {  	[smem:$0x3FBA] =	sst s10  }
0x38: {  	s10 =	sld [smem:$0x3FBB]  }
0x39: {  	_ = 	snop;
	(pc) =	sbr.ind lr, $3  }
0x3a: {  	_ = 	snop  }
0x3b: {  	_ = 	snop  }
0x3c: {  	p2 =	seq.s32 s10, $0x1;
	s10 =	sld [smem:$0x3FBA]  }
0x3d: {  	_ =	shalt  }
0x3e: {  	_ =	shalt  }
0x3f: {  	_ =	shalt  }
0x40: {  	_ =	shalt  }
0x41: {  	_ =	shalt  }
0x42: {  	_ =	shalt  }
0x43: {  	_ =	shalt  }
0x44: {  	_ =	shalt  }
0x45: {  	_ =	shalt  }
0x46: {  	_ =	shalt  }
0x47: {  	_ =	shalt  }
0x48: {  	_ =	shalt  }
0x49: {  	_ =	shalt  }
0x4a: {  	_ =	shalt  }
0x4b: {  	_ =	shalt  }
0x4c: {  	_ =	shalt  }
0x4d: {  	_ =	shalt  }
0x4e: {  	_ =	shalt  }
0x4f: {  	_ =	shalt  }
0x50: {  	_ =	shalt  }
0x51: {  	_ =	shalt  }
0x52: {  	_ =	shalt  }
0x53: {  	_ =	shalt  }
0x54: {  	_ =	shalt  }
0x55: {  	_ =	shalt  }
0x56: {  	_ =	shalt  }
0x57: {  	_ =	shalt  }
0x58: {  	_ =	shalt  }
0x59: {  	_ =	shalt  }
0x5a: {  	_ =	shalt  }
0x5b: {  	_ =	shalt  }
0x5c: {  	_ =	shalt  }
0x5d: {  	_ =	shalt  }
0x5e: {  	_ =	shalt  }
0x5f: {  	_ =	shalt  }
0x60: {  	_ =	shalt  }
0x61: {  	_ =	shalt  }
0x62: {  	_ =	shalt  }
0x63: {  	_ =	shalt  }
0x64: {  	_ =	shalt  }
0x65: {  	_ =	shalt  }
0x66: {  	_ =	shalt  }
0x67: {  	_ =	shalt  }
0x68: {  	_ =	shalt  }
0x69: {  	_ =	shalt  }
0x6a: {  	_ =	shalt  }
0x6b: {  	_ =	shalt  }
0x6c: {  	_ =	shalt  }
0x6d: {  	_ =	shalt  }
0x6e: {  	_ =	shalt  }
0x6f: {  	_ =	shalt  }
0x70: {  	_ =	shalt  }
0x71: {  	_ =	shalt  }
0x72: {  	_ =	shalt  }
0x73: {  	_ =	shalt  }
0x74: {  	_ =	shalt  }
0x75: {  	_ =	shalt  }
0x76: {  	_ =	shalt  }
0x77: {  	_ =	shalt  }
0x78: {  	_ =	shalt  }
0x79: {  	_ =	shalt  }
0x7a: {  	_ =	shalt  }
0x7b: {  	_ =	shalt  }
0x7c: {  	_ =	shalt  }
0x7d: {  	_ =	shalt  }
0x7e: {  	_ =	shalt  }
0x7f: {  	_ =	shalt  }
0x80: {  	_ =	shalt  }
0x81: {  	_ =	shalt  }
0x82: {  	_ =	shalt  }
0x83: {  	_ =	shalt  }
0x84: {  	_ =	shalt  }
0x85: {  	_ =	shalt  }
0x86: {  	_ =	shalt  }
0x87: {  	_ =	shalt  }
.Lfunc_end0:
.L_simem_size_0:
called_computation_lowered:
.L_overlay_start_0:
0x88: {  	s2 =	sld [smem:$0x3FD9]  }
0x89: {  	s3 =	sld [smem:$0x3FFE];
	_ =	sdelay $0x1  }
0x8a: {  	s1 =	srdreg.scid  }
0x8b: {  	s0 =	sand.u32 $0x1, s1  }
0x8c: {  	s17 =	sshll.u32 s0, $0xA;
	s2 =	sadd.s32 s3, s2  }
0x8d: {  	s2 =	sadd.s32 s2, s17  }
0x8e: {  	[smem:$0x3FC6] =	sst s2  }
0x8f: {  	_ = 	snop  }
0x90: {  	s2 =	sld [smem:$0x3FD0];
	(tm) =	ssettm $0x1  }
0x91: {  	s18 =	sld [smem:$0x3FFB];
	_ =	sdelay $0x3  }
0x92: {  	_ =	strace s18  }
0x93: {  	s3 =	sld [smem:$0x3FFC];
	_ =	sdelay $0x3  }
0x94: {  	_ =	strace s3  }
0x95: {  	s3 =	sld [smem:$0x3FFD];
	_ =	sdelay $0x3  }
0x96: {  	_ =	strace s3  }
0x97: {  	_ =	strace $0x8FFFFFFF  }
0x98: {  	s19 =	sld [smem:$0x3FDB];
	_ =	sdelay $0x1  }
0x99: {  	s4 =	simm.s32 $_scs_section_size  }
0x9a: {  	s5 =	simm.s32 $_size__tile_overlayer_lowered;
	s6 =	simm.s32 $_tile_overlayer_lowered  }
0x9b: {  	s22 =	simm.s32 $0x1BFF;
	s21 =	sshll.u32 s6, $0x1;
	s3 =	sadd.s32 s4, s19  }
0x9c: {  	s7 =	simm.s32 $0x0;
	s20 =	sshll.u32 s5, $0x1;
	s5 =	sadd.s32 s21, s3  }
0x9d: {  	[timem:s7], [sflag:s22] =	dma.local [hbm:s5], s20  }
0x9e: {  	_ =	swait.ge [sflag:s22], s20  }
0x9f: {  	s4 =	ssub.s32 $0x0, s20;
	[sflag:s22] =	ssyncset.done $0x0  }
0xa0: {  	[sflag:s22] =	ssyncadd.s32 s4;
	_ =	sdelay $0x1  }
0xa1: {  	s23 =	simm.s32 $0x1B8B  }
0xa2: {  	_ =	swait.ge [sflag:s23], $0x1  }
0xa3: {  	[sflag:s23] =	ssyncset.done $0x0  }
0xa4: {  	s25 =	simm.s32 $0x1B8E;
	s24 =	sld [smem:$0x3FFE];
	[sflag:s23] =	ssyncadd.s32 $0xFFFFFFFF  }
0xa5: {  	s26 =	simm.s32 $execute0_lowered;
	[smem:$0x3FD2] =	sst s25  }
0xa6: {  	s5 =	sshll.u32 s26, $0x1;
	_ =	strace $0x80000046;
	[dreg:$0x1] =	wrdreg $0xFFFFFFFF  }
0xa7: {  	s28 =	simm.s32 $_size_execute0_lowered;
	s3 =	sadd.s32 s3, s5;
	[dreg:$0x0] =	wrdreg $0x0  }
0xa8: {  	s5 =	sshll.u32 s28, $0x1;
	[dreg:$0x2] =	wrdreg s3  }
0xa9: {  	[dreg:$0x3] =	wrdreg s5  }
0xaa: {  	[dreg:$0x4] =	wrdreg $0xC0  }
0xab: {  	_ =	task [dreg:s7], $0x5FFFF  }
0xac: {  	[dreg:$0x1] =	wrdreg $0xFFFFFFFF  }
0xad: {  	[dreg:$0x0] =	wrdreg $0x60  }
0xae: {  	[dreg:$0x2] =	wrdreg s24  }
0xaf: {  	[dreg:$0x3] =	wrdreg s2  }
0xb0: {  	[dreg:$0x4] =	wrdreg $0x9  }
0xb1: {  	_ =	task.clear_ibuf [dreg:s7], $0x5FFFF;
	_ =	strace $0x90000046  }
0xb2: {  	s29 =	simm.s32 $0x9;
	_ =	strace $0x80000048  }
0xb3: {  	_ =	swait.ge [sflag:s29], $0x1  }
0xb4: {  	[sflag:s29] =	ssyncadd.s32 $0xFFFFFFFF  }
0xb5: {  	_ =	strace $0x90000048  }
0xb6: {  	_ =	sfence  }
0xb7: {  	s30 =	sld [smem:$0x0];
	_ =	sdelay $0x2  }
0xb8: {  	s31 =	sshll.u32 s1, $0xD;
	s1 =	sshrl.u32 s1, $0x2  }
0xb9: {  	s3 =	sand.u32 $0x4000, s31;
	s1 =	sadd.s32 s1, s30  }
0xba: {  	s0 =	sor.u32 s3, s0;
	s1 =	sshll.u32 s1, $0x11  }
0xbb: {  	s0 =	sor.u32 s1, s0  }
0xbc: {  	s0 =	sadd.s32 $0x8F2B, s0  }
0xbd: {  	[sflag:s0] =	ssyncadd.remote.s32 $0x1  }
0xbe: {  	_ =	sfence.sel $0xFFFF  }
0xbf: {  	[dreg:$0x0] =	wrdreg $0xFFFFFFFF;
	(pc) =	sbr.abs _section_cstart, $3  }
0xc0: {  	[dreg:$0x1] =	wrdreg $0xFFFFFFFF  }
0xc1: {  	_ =	task.clear_ibuf [dreg:s7], $0x2FFFF;
	_ =	strace $0x9FFFFFFF  }
0xc2: {  	(tm) =	ssettm $0x7FFFFFFF  }
0xc3: {  	_ =	shalt  }
tec
execute0_lowered:
.L_overlay_start_1:
0x0: {  	(tag) =	ssettag $0x1  }
0x1: {  	s0 =	srdreg.scid;
	s2 =	rddreg [dreg:$0x0]  }
0x2: {  	s1 =	simm.s32 $0x0;
	s12 =	stileid.u32;
	s0 =	sand.u32 $0x1, s0  }
0x3: {  	[smem:$0x7FF] =	sst s1;
	s4 =	sadd.s32 $0x800, s2;
	s3 =	sshll.u32 s0, $0x4  }
0x4: {  	s23 =	ssub.s32 $0x2, s0;
	s0 =	sshll.u32 s0, $0x12;
	s3 =	sor.u32 s12, s3  }
0x5: {  	s7 =	sshrl.u32 s23, $0x1;
	s6 =	sshll.u32 s3, $0x5;
	s19 =	sshll.u32 s3, $0x8  }
0x6: {  	s3 =	sshll.u32 s3, $0xF;
	s7 =	ssub.s32 s23, s7;
	s2 =	sadd.s32 s6, s2  }
0x7: {  	s10 =	sor.u32 $0x10, s19;
	s3 =	sadd.s32 s4, s3;
	s31 =	sor.u32 $0x20, s19  }
0x8: {  	s22 =	sor.u32 $0x30, s19;
	s13 =	sor.u32 $0x40, s19;
	s21 =	sor.u32 $0x50, s19  }
0x9: {  	s17 =	sor.u32 $0x60, s19;
	s20 =	sor.u32 $0x70, s19;
	s14 =	sor.u32 $0x90, s19  }
0xa: {  	s16 =	sor.u32 $0xA0, s19;
	s8 =	sshll.u32 s10, $0x7;
	[dreg:$0x3] =	wrdreg s3  }
0xb: {  	s25 =	sshll.u32 s31, $0x7;
	s26 =	sshll.u32 s22, $0x7;
	s30 =	sshll.u32 s13, $0x7  }
0xc: {  	v19 =	vlaneseq.u32;
	s9 =	sshll.u32 s21, $0x7;
	s11 =	sshll.u32 s17, $0x7;
	s15 =	sshll.u32 s20, $0x7  }
0xd: {  	s23 =	sshll.u32 s14, $0x7;
	s2 =	sadd.s32 $0x400, s2;
	v6 =	vor.u32 s17, v19;
	s17 =	simm.s32 $0x2  }
0xe: {  	v1 =	vor.u32 s10, v19;
	v7 =	vor.u32 s20, v19;
	s10 =	simm.s32 $0x14000;
	s20 =	simm.s32 $0x8;
	s24 =	sadd.s32 s4, s8  }
0xf: {  	v5 =	vor.u32 s21, v19;
	s21 =	simm.s32 $0x4;
	s3 =	sadd.s32 s4, s25;
	[dreg:$0x4] =	wrdreg s24  }
0x10: {  	v3 =	vor.u32 s22, v19;
	s22 =	simm.s32 $0x9;
	s5 =	sadd.s32 s4, s26;
	[dreg:$0x5] =	wrdreg s3  }
0x11: {  	v4 =	vor.u32 s13, v19;
	s13 =	simm.s32 $0x12000;
	s6 =	sadd.s32 s4, s30;
	[dreg:$0x6] =	wrdreg s5  }
0x12: {  	s8 =	sor.u32 $0x80, s19;
	s30 =	sor.u32 $0xB0, s19;
	[dreg:$0x7] =	wrdreg s6  }
0x13: {  	[dreg:$0x1b] =	wrdreg s8;
	s3 =	sadd.s32 s4, s9;
	s6 =	sshll.u32 s8, $0x7  }
0x14: {  	s24 =	sshll.u32 s16, $0x7;
	[dreg:$0x8] =	wrdreg s3;
	s3 =	sadd.s32 s4, s11  }
0x15: {  	s25 =	sshll.u32 s30, $0x7;
	s18 =	sadd.s32 s4, s6;
	[dreg:$0x9] =	wrdreg s3  }
0x16: {  	s9 =	sor.u32 $0xC0, s19;
	s26 =	sadd.s32 s4, s24;
	[dreg:$0xb] =	wrdreg s18  }
0x17: {  	s8 =	sor.u32 $0xD0, s19;
	s5 =	sadd.s32 s4, s25;
	[dreg:$0xd] =	wrdreg s26  }
0x18: {  	s6 =	sshll.u32 s9, $0x7;
	s3 =	sadd.s32 s4, s15;
	[dreg:$0xe] =	wrdreg s5  }
0x19: {  	s15 =	sor.u32 $0xE0, s19;
	s18 =	sshll.u32 s8, $0x7;
	[dreg:$0xa] =	wrdreg s3  }
0x1a: {  	s3 =	sadd.s32 s4, s23;
	s23 =	sadd.s32 s4, s18;
	s18 =	rddreg [dreg:$0x1]  }
0x1b: {  	s5 =	sor.u32 $0xF0, s19;
	s26 =	sshll.u32 s12, $0xE;
	[dreg:$0xc] =	wrdreg s3  }
0x1c: {  	s11 =	sshll.u32 s15, $0x7;
	s3 =	sadd.s32 s4, s6;
	[dreg:$0x10] =	wrdreg s23  }
0x1d: {  	s25 =	sshll.u32 s5, $0x7;
	s24 =	sadd.s32 s4, s11;
	[dreg:$0xf] =	wrdreg s3  }
0x1e: {  	v16 =	vimm.f32 $0.0e+00;
	v13 =	vor.u32 s8, v19;
	s8 =	simm.s32 $0x1;
	[dreg:$0x11] =	wrdreg s24;
	s3 =	sadd.s32 s4, s25  }
0x1f: {  	vm0 =	vmmov $0xffff;
	v18 =	vshrl.u32 v19, $0x3;
	v0 =	vor.u32 s19, v19;
	s19 =	simm.s32 $0x5;
	s6 =	sor.u32 s26, s0;
	[dreg:$0x12] =	wrdreg s3  }
0x20: {  	v17 =	vand.u32 $0x7, v19;
	v18 =	vmul.u32 $0x8, v18;
	v2 =	vor.u32 s31, v19;
	s3 =	smax.u32 s7, $0x1;
	_ =	strace $0x80000047;
	[dreg:$0x13] =	wrdreg s2  }
0x21: {  	v9 =	vor.u32 s14, v19;
	v10 =	vor.u32 s16, v19;
	v15 =	vor.u32 s5, v19;
	s5 =	simm.s32 $0x0;
	s4 =	sadd.s32 $0x40000, s6;
	[dreg:$0x14] =	wrdreg s3  }
0x22: {  	v0 =	vshrl.u32 v0, $0x1;
	v1 =	vshrl.u32 v1, $0x1;
	v2 =	vshrl.u32 v2, $0x1;
	s23 =	sadd.s32 $0x80000, s18;
	s7 =	sadd.s32 $0xC0000, s6;
	[dreg:$0x15] =	wrdreg s4  }
0x23: {  	v3 =	vshrl.u32 v3, $0x1;
	v4 =	vshrl.u32 v4, $0x1;
	v5 =	vshrl.u32 v5, $0x1;
	s26 =	sadd.s32 $0x100, s18;
	s11 =	sadd.s32 $0x140000, s6;
	[dreg:$0x16] =	wrdreg s7  }
0x24: {  	v6 =	vshrl.u32 v6, $0x1;
	v7 =	vshrl.u32 v7, $0x1;
	v9 =	vshrl.u32 v9, $0x1;
	s28 =	sadd.s32 $0x200, s18;
	s12 =	sadd.s32 $0x1C0000, s6;
	[dreg:$0x17] =	wrdreg s11  }
0x25: {  	v10 =	vshrl.u32 v10, $0x1;
	v11 =	vor.u32 s30, v19;
	v12 =	vor.u32 s9, v19;
	s29 =	sadd.s32 $0x300, s18;
	s24 =	sadd.s32 $0x100000, s18;
	[dreg:$0x18] =	wrdreg s12  }
0x26: {  	v11 =	vshrl.u32 v11, $0x1;
	v12 =	vshrl.u32 v12, $0x1;
	v14 =	vor.u32 s15, v19;
	s25 =	sadd.s32 $0x180000, s18;
	s2 =	simm.s32 $0x4000;
	s31 =	rddreg [dreg:$0x1b]  }
0x27: {  	v13 =	vshrl.u32 v13, $0x1;
	v14 =	vshrl.u32 v14, $0x1;
	s3 =	simm.s32 $0x8000;
	s4 =	simm.s32 $0xC000;
	s12 =	simm.s32 $0x10000;
	v8 =	vor.u32 s31, v19  }
0x28: {  	v15 =	vshrl.u32 v15, $0x1;
	[dreg:$0x19] =	wrdreg s6;
	s11 =	simm.s32 $0x3;
	s7 =	simm.s32 $0xC;
	v19 =	vor.u32 $0x8, v19;
	v8 =	vshrl.u32 v8, $0x1  }
.LBB2_1:
0x29: {  	s0 =	rddreg [dreg:$0x3]  }
0x2a: {  	[tilespmem:s1], [sflag:$0x2] =	stream.linear.gather [hbm4b:s0+s1], $0x4000, $0x38;
	[tilespmem:$0x18D80] =	vst v63  }
0x2b: {  	s31 =	rddreg [dreg:$0x4]  }
0x2c: {  	[tilespmem:s2], [sflag:$0x3] =	stream.linear.gather [hbm4b:s31+s1], $0x4000, $0x38;
	[tilespmem:$0x18D80] =	vst v63  }
0x2d: {  	s9 =	rddreg [dreg:$0x5]  }
0x2e: {  	[tilespmem:s3], [sflag:$0x4] =	stream.linear.gather [hbm4b:s9+s1], $0x4000, $0x38;
	[tilespmem:$0x18D80] =	vst v63  }
0x2f: {  	s14 =	rddreg [dreg:$0x6]  }
0x30: {  	[tilespmem:s4], [sflag:$0x5] =	stream.linear.gather [hbm4b:s14+s1], $0x4000, $0x38;
	[tilespmem:$0x18D80] =	vst v63  }
0x31: {  	s15 =	rddreg [dreg:$0x7]  }
0x32: {  	[tilespmem:s12], [sflag:$0x6] =	stream.linear.gather [hbm4b:s15+s1], $0x4000, $0x38;
	[tilespmem:$0x18D80] =	vst v63  }
0x33: {  	s16 =	rddreg [dreg:$0x13];
	s30 =	simm.s32 $0x18000;
	s31 =	simm.s32 $0xE  }
0x34: {  	[tilespmem:s30], [sflag:$0xE] =	stream.linear.gather [hbm4b:s16+s1], $0x100, $0x38;
	[tilespmem:$0x18D80] =	vst v63  }
0x35: {  	_ =	swait.ge [sflag:s31], $0x100  }
0x36: {  	[sflag:s31] =	ssyncset.done $0x0  }
0x37: {  	[sflag:s31] =	ssyncadd.s32 $0xFFFFFF00  }
0x38: {  	v20 =	vld [tilespmem:$0x18000]  }
0x39: {  	v21 =	vld [tilespmem:$0x18010]  }
0x3a: {  	v22 =	vld [tilespmem:$0x18020]  }
0x3b: {  	v23 =	vld [tilespmem:$0x18030]  }
0x3c: {  	v24 =	vld [tilespmem:$0x18040]  }
0x3d: {  	v25 =	vld [tilespmem:$0x18050];
	v20 =	vshll.u32 v20, $0xB  }
0x3e: {  	v26 =	vld [tilespmem:$0x18060];
	v21 =	vshll.u32 v21, $0xB;
	v20 =	vadd.s32 v0, v20  }
0x3f: {  	v42 =	vld [tilespmem:$0x18070];
	v41 =	vshll.u32 v22, $0xB;
	[tilespmem:$0x18580] =	vst v20;
	v20 =	vadd.s32 v1, v21  }
0x40: {  	v44 =	vld [tilespmem:$0x18080];
	v43 =	vshll.u32 v23, $0xB;
	[tilespmem:$0x18600] =	vst v20;
	v20 =	vadd.s32 v2, v41  }
0x41: {  	v46 =	vld [tilespmem:$0x18090];
	v45 =	vshll.u32 v24, $0xB;
	[tilespmem:$0x18680] =	vst v20;
	v20 =	vadd.s32 v3, v43  }
0x42: {  	v48 =	vld [tilespmem:$0x180A0];
	v47 =	vshll.u32 v25, $0xB;
	[tilespmem:$0x18700] =	vst v20;
	v20 =	vadd.s32 v4, v45  }
0x43: {  	v50 =	vld [tilespmem:$0x180B0];
	v49 =	vshll.u32 v26, $0xB;
	[tilespmem:$0x18780] =	vst v20;
	v20 =	vadd.s32 v5, v47  }
0x44: {  	v52 =	vld [tilespmem:$0x180C0];
	v51 =	vshll.u32 v42, $0xB;
	[tilespmem:$0x18800] =	vst v20;
	v20 =	vadd.s32 v6, v49  }
0x45: {  	v54 =	vld [tilespmem:$0x180D0];
	v53 =	vshll.u32 v44, $0xB;
	[tilespmem:$0x18880] =	vst v20;
	v20 =	vadd.s32 v7, v51  }
0x46: {  	v56 =	vld [tilespmem:$0x180E0];
	v55 =	vshll.u32 v46, $0xB;
	[tilespmem:$0x18900] =	vst v20;
	v20 =	vadd.s32 v8, v53  }
0x47: {  	v58 =	vld [tilespmem:$0x180F0];
	v57 =	vshll.u32 v48, $0xB;
	[tilespmem:$0x18980] =	vst v20;
	v20 =	vadd.s32 v9, v55  }
0x48: {  	v59 =	vshll.u32 v50, $0xB;
	[tilespmem:$0x18A00] =	vst v20;
	v20 =	vadd.s32 v10, v57  }
0x49: {  	v60 =	vshll.u32 v52, $0xB;
	[tilespmem:$0x18A80] =	vst v20;
	v20 =	vadd.s32 v11, v59  }
0x4a: {  	v61 =	vshll.u32 v54, $0xB;
	[tilespmem:$0x18B00] =	vst v20;
	v20 =	vadd.s32 v12, v60  }
0x4b: {  	v62 =	vshll.u32 v56, $0xB;
	[tilespmem:$0x18B80] =	vst v20;
	v20 =	vadd.s32 v13, v61  }
0x4c: {  	v63 =	vshll.u32 v58, $0xB;
	[tilespmem:$0x18C00] =	vst v20;
	v20 =	vadd.s32 v14, v62  }
0x4d: {  	[tilespmem:$0x18C80] =	vst v20;
	v20 =	vadd.s32 v15, v63  }
0x4e: {  	s0 =	simm.s32 $0x40;
	s14 =	simm.s32 $0x0;
	[tilespmem:$0x18D00] =	vst v20  }
.LBB2_2:
0x4f: {  	p0 =	sne.s32 s0, $0xFC0;
	[tilespmem:s14+$0x18180] =	vst v16;
	s14 =	smov.u32 s0;
	s0 =	sadd.s32 $0x40, s0  }
.Ltmp0:
0x50: {  	(pc) =	sbr.rel @p0 .LBB2_2-.Ltmp0, $2  }
0x51: {  	_ =	sdelay $0x2  }
0x52: {  	s16 =	simm.s32 $0x18000;
	s14 =	sshra.s32 s14, $0x2  }
0x53: {  	[tilespmem:s14+$0x18180] =	vst v16  }
0x54: {  	v20 =	vld [tilespmem:s16+$0x0];
	_ =	sdelay $0x4  }
0x55: {  	(v2sf) =	vpush v20, $0x0  }
0x56: {  	(v2sf) =	vpush v20, $0x1;
	_ =	sdelay $0xd  }
0x57: {  	s0 =	spop (v2sf)  }
0x58: {  	p0 =	seq.s32 s0, $0x0;
	s0 =	spop (v2sf)  }
0x59: {  	p1 =	seq.s32 @!p0 s0, $0x0  }
0x5a: {  	s30 =	simm.s32 $0x0;
	p0 =	por p1, p0  }
0x5b: {  	s0 =	sand.u32 @!p0 $0x70, s30  }
0x5c: {  	s14 =	sand.u32 @!p0 $0xFFFFC00, s6;
	s31 =	simm.s32 @!p0 $0x80;
	s0 =	sadd.s32 @!p0 s18, s0  }
0x5d: {  	s2 =	simm.s32 @!p0 $0x18180;
	s0 =	sadd.s32 @!p0 s14, s0;
	s14 =	simm.s32 @!p0 $0x400  }
0x5e: {  	[hbm4b:s0+s31] =	stream.strided.scatter @!p0 [tilespmem:s2], [sflag:$0x1], $0x400, s14, s31, $0x38;
	[tilespmem:$0x18D80] =	vst v63  }
0x5f: {  	s14 =	simm.s32 $0x10;
	s0 =	simm.s32 $0x18002;
	s31 =	smov.u32 s6  }
.LBB2_4:
0x60: {  	v20 =	vld [tilespmem:s0+$0x0];
	s2 =	smov.u32 s14;
	s14 =	sadd.s32 $0x10, s14  }
0x61: {  	p0 =	sne.s32 s14, $0x800;
	_ =	sdelay $0x3  }
0x62: {  	(v2sf) =	vpush v20, $0x0  }
0x63: {  	(v2sf) =	vpush v20, $0x1;
	_ =	sdelay $0xd  }
0x64: {  	s3 =	spop (v2sf)  }
0x65: {  	p1 =	seq.s32 s3, $0x0;
	s3 =	spop (v2sf)  }
0x66: {  	p2 =	seq.s32 @!p1 s3, $0x0  }
.Ltmp1:
0x67: {  	p1 =	por p2, p1;
	(pc) =	sbr.rel @p0 .LBB2_4-.Ltmp1, $4  }
0x68: {  	s0 =	sadd.s32 $0x2, s0;
	s31 =	sadd.s32 $0x80, s31;
	s2 =	sand.u32 @!p1 $0x70, s2  }
0x69: {  	s3 =	sand.u32 @!p1 $0xFFFFC00, s31;
	s4 =	simm.s32 @!p1 $0x80;
	s2 =	sadd.s32 @!p1 s18, s2  }
0x6a: {  	s15 =	simm.s32 @!p1 $0x18180;
	s2 =	sadd.s32 @!p1 s3, s2;
	s3 =	simm.s32 @!p1 $0x400  }
0x6b: {  	[hbm4b:s2+s4] =	stream.strided.scatter @!p1 [tilespmem:s15], [sflag:$0x1], $0x400, s3, s4, $0x38;
	[tilespmem:$0x18D80] =	vst v63  }
0x6c: {  	v20 =	vld [tilespmem:s16+$0x0];
	_ =	sdelay $0x4  }
0x6d: {  	(v2sf) =	vpush v20, $0x0  }
0x6e: {  	(v2sf) =	vpush v20, $0x1;
	_ =	sdelay $0xd  }
0x6f: {  	s0 =	spop (v2sf)  }
0x70: {  	p0 =	seq.s32 s0, $0x1;
	s0 =	spop (v2sf)  }
0x71: {  	p1 =	seq.s32 @!p0 s0, $0x1  }
0x72: {  	p0 =	por p1, p0  }
0x73: {  	s15 =	rddreg [dreg:$0x15];
	s0 =	sand.u32 @!p0 $0x70, s30  }
0x74: {  	s2 =	sand.u32 @!p0 $0xFFFFC00, s15;
	s3 =	simm.s32 @!p0 $0x80;
	s0 =	sadd.s32 @!p0 s18, s0  }
0x75: {  	s4 =	simm.s32 @!p0 $0x18180;
	s0 =	sadd.s32 @!p0 s2, s0;
	s2 =	simm.s32 @!p0 $0x400  }
0x76: {  	[hbm4b:s0+s3] =	stream.strided.scatter @!p0 [tilespmem:s4], [sflag:$0x1], $0x400, s2, s3, $0x38;
	[tilespmem:$0x18D80] =	vst v63  }
0x77: {  	s31 =	simm.s32 $0x10;
	s14 =	simm.s32 $0x18002;
	s0 =	smov.u32 s15  }
.LBB2_6:
0x78: {  	v20 =	vld [tilespmem:s14+$0x0];
	s2 =	smov.u32 s31;
	s31 =	sadd.s32 $0x10, s31  }
0x79: {  	p0 =	sne.s32 s31, $0x800;
	_ =	sdelay $0x3  }
0x7a: {  	(v2sf) =	vpush v20, $0x0  }
0x7b: {  	(v2sf) =	vpush v20, $0x1;
	_ =	sdelay $0xd  }
0x7c: {  	s3 =	spop (v2sf)  }
0x7d: {  	p1 =	seq.s32 s3, $0x1;
	s3 =	spop (v2sf)  }
0x7e: {  	s16 =	simm.s32 $0x0;
	p2 =	seq.s32 @!p1 s3, $0x1  }
.Ltmp2:
0x7f: {  	s30 =	simm.s32 $0x18000;
	p1 =	por p2, p1;
	(pc) =	sbr.rel @p0 .LBB2_6-.Ltmp2, $4  }
0x80: {  	s14 =	sadd.s32 $0x2, s14;
	s0 =	sadd.s32 $0x80, s0;
	s2 =	sand.u32 @!p1 $0x70, s2  }
0x81: {  	s3 =	sand.u32 @!p1 $0xFFFFC00, s0;
	s4 =	simm.s32 @!p1 $0x80;
	s2 =	sadd.s32 @!p1 s18, s2  }
0x82: {  	s15 =	simm.s32 @!p1 $0x18180;
	s2 =	sadd.s32 @!p1 s3, s2;
	s3 =	simm.s32 @!p1 $0x400  }
0x83: {  	[hbm4b:s2+s4] =	stream.strided.scatter @!p1 [tilespmem:s15], [sflag:$0x1], $0x400, s3, s4, $0x38;
	[tilespmem:$0x18D80] =	vst v63  }
0x84: {  	v20 =	vld [tilespmem:s30+$0x0];
	_ =	sdelay $0x4  }
0x85: {  	(v2sf) =	vpush v20, $0x0  }
0x86: {  	(v2sf) =	vpush v20, $0x1;
	_ =	sdelay $0xd  }
0x87: {  	s0 =	spop (v2sf)  }
0x88: {  	p0 =	seq.s32 s0, $0x2;
	s0 =	spop (v2sf)  }
0x89: {  	p1 =	seq.s32 @!p0 s0, $0x2  }
0x8a: {  	p0 =	por p1, p0  }
0x8b: {  	s0 =	sand.u32 @!p0 $0x70, s16;
	s2 =	sand.u32 @!p0 $0xFF7FC00, s6  }
0x8c: {  	s3 =	simm.s32 @!p0 $0x400;
	s0 =	sor.u32 @!p0 s2, s0  }
0x8d: {  	s4 =	simm.s32 @!p0 $0x18180;
	s2 =	simm.s32 @!p0 $0x80;
	s0 =	sadd.s32 @!p0 s0, s23  }
0x8e: {  	[hbm4b:s0+s2] =	stream.strided.scatter @!p0 [tilespmem:s4], [sflag:$0x1], $0x400, s3, s2, $0x38;
	[tilespmem:$0x18D80] =	vst v63  }
0x8f: {  	s14 =	simm.s32 $0x18002;
	s31 =	smov.u32 s6;
	s0 =	simm.s32 $0x10  }
.LBB2_8:
0x90: {  	v20 =	vld [tilespmem:s14+$0x0];
	s2 =	smov.u32 s0;
	s0 =	sadd.s32 $0x10, s0  }
0x91: {  	p0 =	sne.s32 s0, $0x800;
	_ =	sdelay $0x3  }
0x92: {  	(v2sf) =	vpush v20, $0x0  }
0x93: {  	(v2sf) =	vpush v20, $0x1;
	_ =	sdelay $0xd  }
0x94: {  	s3 =	spop (v2sf)  }
0x95: {  	p1 =	seq.s32 s3, $0x2;
	s3 =	spop (v2sf)  }
0x96: {  	p2 =	seq.s32 @!p1 s3, $0x2  }
.Ltmp3:
0x97: {  	s31 =	sadd.s32 $0x80, s31;
	p1 =	por p2, p1;
	(pc) =	sbr.rel @p0 .LBB2_8-.Ltmp3, $4  }
0x98: {  	s2 =	sand.u32 @!p1 $0x70, s2;
	s3 =	sand.u32 @!p1 $0xFF7FC00, s31  }
0x99: {  	s14 =	sadd.s32 $0x2, s14;
	s2 =	sor.u32 @!p1 s3, s2;
	s3 =	simm.s32 @!p1 $0x80  }
0x9a: {  	s4 =	simm.s32 @!p1 $0x400;
	s15 =	simm.s32 @!p1 $0x18180;
	s2 =	sadd.s32 @!p1 s2, s23  }
0x9b: {  	[hbm4b:s2+s3] =	stream.strided.scatter @!p1 [tilespmem:s15], [sflag:$0x1], $0x400, s4, s3, $0x38;
	[tilespmem:$0x18D80] =	vst v63  }
0x9c: {  	v20 =	vld [tilespmem:s30+$0x0];
	_ =	sdelay $0x4  }
0x9d: {  	(v2sf) =	vpush v20, $0x0  }
0x9e: {  	(v2sf) =	vpush v20, $0x1;
	_ =	sdelay $0xd  }
0x9f: {  	s0 =	spop (v2sf)  }
0xa0: {  	p0 =	seq.s32 s0, $0x3;
	s0 =	spop (v2sf)  }
0xa1: {  	p1 =	seq.s32 @!p0 s0, $0x3  }
0xa2: {  	p0 =	por p1, p0  }
0xa3: {  	s15 =	rddreg [dreg:$0x16];
	s0 =	sand.u32 @!p0 $0x70, s16  }
0xa4: {  	s2 =	sand.u32 @!p0 $0xFFFFC00, s15;
	s3 =	simm.s32 @!p0 $0x80;
	s0 =	sadd.s32 @!p0 s18, s0  }
0xa5: {  	s4 =	simm.s32 @!p0 $0x18180;
	s0 =	sadd.s32 @!p0 s2, s0;
	s2 =	simm.s32 @!p0 $0x400  }
0xa6: {  	[hbm4b:s0+s3] =	stream.strided.scatter @!p0 [tilespmem:s4], [sflag:$0x1], $0x400, s2, s3, $0x38;
	[tilespmem:$0x18D80] =	vst v63  }
0xa7: {  	s31 =	simm.s32 $0x10;
	s14 =	simm.s32 $0x18002;
	s0 =	smov.u32 s15  }
.LBB2_10:
0xa8: {  	v20 =	vld [tilespmem:s14+$0x0];
	s2 =	smov.u32 s31;
	s31 =	sadd.s32 $0x10, s31  }
0xa9: {  	p0 =	sne.s32 s31, $0x800;
	_ =	sdelay $0x3  }
0xaa: {  	(v2sf) =	vpush v20, $0x0  }
0xab: {  	(v2sf) =	vpush v20, $0x1;
	_ =	sdelay $0xd  }
0xac: {  	s3 =	spop (v2sf)  }
0xad: {  	p1 =	seq.s32 s3, $0x3;
	s3 =	spop (v2sf)  }
0xae: {  	s16 =	simm.s32 $0x0;
	p2 =	seq.s32 @!p1 s3, $0x3  }
.Ltmp4:
0xaf: {  	s30 =	simm.s32 $0x18000;
	p1 =	por p2, p1;
	(pc) =	sbr.rel @p0 .LBB2_10-.Ltmp4, $4  }
0xb0: {  	s14 =	sadd.s32 $0x2, s14;
	s0 =	sadd.s32 $0x80, s0;
	s2 =	sand.u32 @!p1 $0x70, s2  }
0xb1: {  	s3 =	sand.u32 @!p1 $0xFFFFC00, s0;
	s4 =	simm.s32 @!p1 $0x80;
	s2 =	sadd.s32 @!p1 s18, s2  }
0xb2: {  	s15 =	simm.s32 @!p1 $0x18180;
	s2 =	sadd.s32 @!p1 s3, s2;
	s3 =	simm.s32 @!p1 $0x400  }
0xb3: {  	[hbm4b:s2+s4] =	stream.strided.scatter @!p1 [tilespmem:s15], [sflag:$0x1], $0x400, s3, s4, $0x38;
	[tilespmem:$0x18D80] =	vst v63  }
0xb4: {  	v20 =	vld [tilespmem:s30+$0x0];
	_ =	sdelay $0x4  }
0xb5: {  	(v2sf) =	vpush v20, $0x0  }
0xb6: {  	(v2sf) =	vpush v20, $0x1;
	_ =	sdelay $0xd  }
0xb7: {  	s0 =	spop (v2sf)  }
0xb8: {  	p0 =	seq.s32 s0, $0x4;
	s0 =	spop (v2sf)  }
0xb9: {  	p1 =	seq.s32 @!p0 s0, $0x4  }
0xba: {  	p0 =	por p1, p0  }
0xbb: {  	s0 =	sand.u32 @!p0 $0x70, s16;
	s2 =	sand.u32 @!p0 $0xFEFFC00, s6  }
0xbc: {  	s3 =	simm.s32 @!p0 $0x400;
	s0 =	sor.u32 @!p0 s2, s0  }
0xbd: {  	s4 =	simm.s32 @!p0 $0x18180;
	s2 =	simm.s32 @!p0 $0x80;
	s0 =	sadd.s32 @!p0 s0, s24  }
0xbe: {  	[hbm4b:s0+s2] =	stream.strided.scatter @!p0 [tilespmem:s4], [sflag:$0x1], $0x400, s3, s2, $0x38;
	[tilespmem:$0x18D80] =	vst v63  }
0xbf: {  	s14 =	simm.s32 $0x18002;
	s31 =	smov.u32 s6;
	s0 =	simm.s32 $0x10  }
.LBB2_12:
0xc0: {  	v20 =	vld [tilespmem:s14+$0x0];
	s2 =	smov.u32 s0;
	s0 =	sadd.s32 $0x10, s0  }
0xc1: {  	p0 =	sne.s32 s0, $0x800;
	_ =	sdelay $0x3  }
0xc2: {  	(v2sf) =	vpush v20, $0x0  }
0xc3: {  	(v2sf) =	vpush v20, $0x1;
	_ =	sdelay $0xd  }
0xc4: {  	s3 =	spop (v2sf)  }
0xc5: {  	p1 =	seq.s32 s3, $0x4;
	s3 =	spop (v2sf)  }
0xc6: {  	p2 =	seq.s32 @!p1 s3, $0x4  }
.Ltmp5:
0xc7: {  	s31 =	sadd.s32 $0x80, s31;
	p1 =	por p2, p1;
	(pc) =	sbr.rel @p0 .LBB2_12-.Ltmp5, $4  }
0xc8: {  	s2 =	sand.u32 @!p1 $0x70, s2;
	s3 =	sand.u32 @!p1 $0xFEFFC00, s31  }
0xc9: {  	s14 =	sadd.s32 $0x2, s14;
	s2 =	sor.u32 @!p1 s3, s2;
	s3 =	simm.s32 @!p1 $0x80  }
0xca: {  	s4 =	simm.s32 @!p1 $0x400;
	s15 =	simm.s32 @!p1 $0x18180;
	s2 =	sadd.s32 @!p1 s2, s24  }
0xcb: {  	[hbm4b:s2+s3] =	stream.strided.scatter @!p1 [tilespmem:s15], [sflag:$0x1], $0x400, s4, s3, $0x38;
	[tilespmem:$0x18D80] =	vst v63  }
0xcc: {  	v20 =	vld [tilespmem:s30+$0x0];
	_ =	sdelay $0x4  }
0xcd: {  	(v2sf) =	vpush v20, $0x0  }
0xce: {  	(v2sf) =	vpush v20, $0x1;
	_ =	sdelay $0xd  }
0xcf: {  	s0 =	spop (v2sf)  }
0xd0: {  	p0 =	seq.s32 s0, $0x5;
	s0 =	spop (v2sf)  }
0xd1: {  	p1 =	seq.s32 @!p0 s0, $0x5  }
0xd2: {  	p0 =	por p1, p0  }
0xd3: {  	s15 =	rddreg [dreg:$0x17];
	s0 =	sand.u32 @!p0 $0x70, s16  }
0xd4: {  	s2 =	sand.u32 @!p0 $0xFFFFC00, s15;
	s3 =	simm.s32 @!p0 $0x80;
	s0 =	sadd.s32 @!p0 s18, s0  }
0xd5: {  	s4 =	simm.s32 @!p0 $0x18180;
	s0 =	sadd.s32 @!p0 s2, s0;
	s2 =	simm.s32 @!p0 $0x400  }
0xd6: {  	[hbm4b:s0+s3] =	stream.strided.scatter @!p0 [tilespmem:s4], [sflag:$0x1], $0x400, s2, s3, $0x38;
	[tilespmem:$0x18D80] =	vst v63  }
0xd7: {  	s31 =	simm.s32 $0x10;
	s14 =	simm.s32 $0x18002;
	s0 =	smov.u32 s15  }
.LBB2_14:
0xd8: {  	v20 =	vld [tilespmem:s14+$0x0];
	s2 =	smov.u32 s31;
	s31 =	sadd.s32 $0x10, s31  }
0xd9: {  	p0 =	sne.s32 s31, $0x800;
	_ =	sdelay $0x3  }
0xda: {  	(v2sf) =	vpush v20, $0x0  }
0xdb: {  	(v2sf) =	vpush v20, $0x1;
	_ =	sdelay $0xd  }
0xdc: {  	s3 =	spop (v2sf)  }
0xdd: {  	p1 =	seq.s32 s3, $0x5;
	s3 =	spop (v2sf)  }
0xde: {  	s16 =	simm.s32 $0x0;
	p2 =	seq.s32 @!p1 s3, $0x5  }
.Ltmp6:
0xdf: {  	s30 =	simm.s32 $0x18000;
	p1 =	por p2, p1;
	(pc) =	sbr.rel @p0 .LBB2_14-.Ltmp6, $4  }
0xe0: {  	s14 =	sadd.s32 $0x2, s14;
	s0 =	sadd.s32 $0x80, s0;
	s2 =	sand.u32 @!p1 $0x70, s2  }
0xe1: {  	s3 =	sand.u32 @!p1 $0xFFFFC00, s0;
	s4 =	simm.s32 @!p1 $0x80;
	s2 =	sadd.s32 @!p1 s18, s2  }
0xe2: {  	s15 =	simm.s32 @!p1 $0x18180;
	s2 =	sadd.s32 @!p1 s3, s2;
	s3 =	simm.s32 @!p1 $0x400  }
0xe3: {  	[hbm4b:s2+s4] =	stream.strided.scatter @!p1 [tilespmem:s15], [sflag:$0x1], $0x400, s3, s4, $0x38;
	[tilespmem:$0x18D80] =	vst v63  }
0xe4: {  	v20 =	vld [tilespmem:s30+$0x0];
	_ =	sdelay $0x4  }
0xe5: {  	(v2sf) =	vpush v20, $0x0  }
0xe6: {  	(v2sf) =	vpush v20, $0x1;
	_ =	sdelay $0xd  }
0xe7: {  	s0 =	spop (v2sf)  }
0xe8: {  	p0 =	seq.s32 s0, $0x6;
	s0 =	spop (v2sf)  }
0xe9: {  	p1 =	seq.s32 @!p0 s0, $0x6  }
0xea: {  	p0 =	por p1, p0  }
0xeb: {  	s0 =	sand.u32 @!p0 $0x70, s16;
	s2 =	sand.u32 @!p0 $0xFE7FC00, s6  }
0xec: {  	s3 =	simm.s32 @!p0 $0x400;
	s0 =	sor.u32 @!p0 s2, s0  }
0xed: {  	s4 =	simm.s32 @!p0 $0x18180;
	s2 =	simm.s32 @!p0 $0x80;
	s0 =	sadd.s32 @!p0 s0, s25  }
0xee: {  	[hbm4b:s0+s2] =	stream.strided.scatter @!p0 [tilespmem:s4], [sflag:$0x1], $0x400, s3, s2, $0x38;
	[tilespmem:$0x18D80] =	vst v63  }
0xef: {  	s14 =	simm.s32 $0x18002;
	s31 =	smov.u32 s6;
	s0 =	simm.s32 $0x10  }
.LBB2_16:
0xf0: {  	v20 =	vld [tilespmem:s14+$0x0];
	s2 =	smov.u32 s0;
	s0 =	sadd.s32 $0x10, s0  }
0xf1: {  	p0 =	sne.s32 s0, $0x800;
	_ =	sdelay $0x3  }
0xf2: {  	(v2sf) =	vpush v20, $0x0  }
0xf3: {  	(v2sf) =	vpush v20, $0x1;
	_ =	sdelay $0xd  }
0xf4: {  	s3 =	spop (v2sf)  }
0xf5: {  	p1 =	seq.s32 s3, $0x6;
	s3 =	spop (v2sf)  }
0xf6: {  	p2 =	seq.s32 @!p1 s3, $0x6  }
.Ltmp7:
0xf7: {  	s31 =	sadd.s32 $0x80, s31;
	p1 =	por p2, p1;
	(pc) =	sbr.rel @p0 .LBB2_16-.Ltmp7, $4  }
0xf8: {  	s2 =	sand.u32 @!p1 $0x70, s2;
	s3 =	sand.u32 @!p1 $0xFE7FC00, s31  }
0xf9: {  	s14 =	sadd.s32 $0x2, s14;
	s2 =	sor.u32 @!p1 s3, s2;
	s3 =	simm.s32 @!p1 $0x80  }
0xfa: {  	s4 =	simm.s32 @!p1 $0x400;
	s15 =	simm.s32 @!p1 $0x18180;
	s2 =	sadd.s32 @!p1 s2, s25  }
0xfb: {  	[hbm4b:s2+s3] =	stream.strided.scatter @!p1 [tilespmem:s15], [sflag:$0x1], $0x400, s4, s3, $0x38;
	[tilespmem:$0x18D80] =	vst v63  }
0xfc: {  	v20 =	vld [tilespmem:s30+$0x0];
	_ =	sdelay $0x4  }
0xfd: {  	(v2sf) =	vpush v20, $0x0  }
0xfe: {  	(v2sf) =	vpush v20, $0x1;
	_ =	sdelay $0xd  }
0xff: {  	s0 =	spop (v2sf)  }
0x100: {  	p0 =	seq.s32 s0, $0x7;
	s0 =	spop (v2sf)  }
0x101: {  	p1 =	seq.s32 @!p0 s0, $0x7  }
0x102: {  	p0 =	por p1, p0  }
0x103: {  	s0 =	sand.u32 @!p0 $0x70, s16;
	s16 =	rddreg [dreg:$0x18]  }
0x104: {  	s3 =	simm.s32 @!p0 $0x80;
	s2 =	sand.u32 @!p0 $0xFFFFC00, s16;
	s0 =	sadd.s32 @!p0 s18, s0  }
0x105: {  	s4 =	simm.s32 @!p0 $0x18180;
	s0 =	sadd.s32 @!p0 s2, s0;
	s2 =	simm.s32 @!p0 $0x400  }
0x106: {  	[hbm4b:s0+s3] =	stream.strided.scatter @!p0 [tilespmem:s4], [sflag:$0x1], $0x400, s2, s3, $0x38;
	[tilespmem:$0x18D80] =	vst v63  }
0x107: {  	[dreg:$0x1a] =	wrdreg s5;
	s14 =	simm.s32 $0x18002;
	s0 =	simm.s32 $0x10  }
.LBB2_18:
0x108: {  	v20 =	vld [tilespmem:s14+$0x0];
	s2 =	smov.u32 s0;
	s0 =	sadd.s32 $0x10, s0  }
0x109: {  	p0 =	sne.s32 s0, $0x800;
	_ =	sdelay $0x3  }
0x10a: {  	(v2sf) =	vpush v20, $0x0  }
0x10b: {  	(v2sf) =	vpush v20, $0x1;
	_ =	sdelay $0xd  }
0x10c: {  	s3 =	spop (v2sf)  }
0x10d: {  	p1 =	seq.s32 s3, $0x7;
	s3 =	spop (v2sf)  }
0x10e: {  	p2 =	seq.s32 @!p1 s3, $0x7  }
.Ltmp8:
0x10f: {  	p1 =	por p2, p1;
	(pc) =	sbr.rel @p0 .LBB2_18-.Ltmp8, $4  }
0x110: {  	s14 =	sadd.s32 $0x2, s14;
	s16 =	sadd.s32 $0x80, s16;
	s2 =	sand.u32 @!p1 $0x70, s2  }
0x111: {  	s3 =	sand.u32 @!p1 $0xFFFFC00, s16;
	s4 =	simm.s32 @!p1 $0x80;
	s2 =	sadd.s32 @!p1 s18, s2  }
0x112: {  	s15 =	simm.s32 @!p1 $0x18180;
	s2 =	sadd.s32 @!p1 s3, s2;
	s3 =	simm.s32 @!p1 $0x400  }
0x113: {  	[hbm4b:s2+s4] =	stream.strided.scatter @!p1 [tilespmem:s15], [sflag:$0x1], $0x400, s3, s4, $0x38;
	[tilespmem:$0x18D80] =	vst v63  }
0x114: {  	_ =	swait.ge [sflag:s17], $0x4000  }
0x115: {  	[sflag:s17] =	ssyncset.done $0x0  }
0x116: {  	[sflag:s17] =	ssyncadd.s32 $0xFFFFC000  }
0x117: {  	v20 =	vld [tilespmem:$0x18580];
	_ =	sdelay $0x4  }
0x118: {  	v21 =	vshll.u32 v20, $0x3  }
0x119: {  	v20 =	vand.u32 $0x7, v20;
	v21 =	vand.u32 $0xFFFFFFC0, v21  }
0x11a: {  	v20 =	vor.u32 v20, v21  }
0x11b: {  	v21 =	vperm.xlane v20, v17;
	_ =	sdelay $0x1  }
0x11c: {  	v21 =	vadd.s32 v18, v21;
	_ =	sdelay $0x4  }
0x11d: {  	[hbm4b:s18+s1] =	stream.indirect_vreg.scatter [tilespmem:s1], [sflag:$0x8], $0x80, v21, vm0, $0xb8;
	[tilespmem:$0x18D80] =	vst v63  }
0x11e: {  	s0 =	simm.s32 $0x800;
	v20 =	vperm.xlane v20, v19  }
0x11f: {  	[hbm4b:s26+s1] =	stream.indirect_vreg.scatter [tilespmem:s0], [sflag:$0x8], $0x80, v21, vm0, $0xb8;
	[tilespmem:$0x18D80] =	vst v63  }
0x120: {  	s5 =	simm.s32 $0x1000;
	v20 =	vadd.s32 v18, v20  }
0x121: {  	[hbm4b:s28+s1] =	stream.indirect_vreg.scatter [tilespmem:s5], [sflag:$0x8], $0x80, v21, vm0, $0xb8;
	[tilespmem:$0x18D80] =	vst v63  }
0x122: {  	s6 =	simm.s32 $0x1800  }
0x123: {  	[hbm4b:s29+s1] =	stream.indirect_vreg.scatter [tilespmem:s6], [sflag:$0x8], $0x80, v21, vm0, $0xb8;
	[tilespmem:$0x18D80] =	vst v63  }
0x124: {  	s12 =	simm.s32 $0x2000  }
0x125: {  	[hbm4b:s18+s1] =	stream.indirect_vreg.scatter [tilespmem:s12], [sflag:$0x8], $0x80, v20, vm0, $0xb8;
	[tilespmem:$0x18D80] =	vst v63  }
0x126: {  	s14 =	simm.s32 $0x2800  }
0x127: {  	[hbm4b:s26+s1] =	stream.indirect_vreg.scatter [tilespmem:s14], [sflag:$0x8], $0x80, v20, vm0, $0xb8;
	[tilespmem:$0x18D80] =	vst v63  }
0x128: {  	s15 =	simm.s32 $0x3000  }
0x129: {  	[hbm4b:s28+s1] =	stream.indirect_vreg.scatter [tilespmem:s15], [sflag:$0x8], $0x80, v20, vm0, $0xb8;
	[tilespmem:$0x18D80] =	vst v63  }
0x12a: {  	s16 =	simm.s32 $0x3800  }
0x12b: {  	[hbm4b:s29+s1] =	stream.indirect_vreg.scatter [tilespmem:s16], [sflag:$0x8], $0x80, v20, vm0, $0xb8;
	[tilespmem:$0x18D80] =	vst v63  }
0x12c: {  	s30 =	rddreg [dreg:$0x8]  }
0x12d: {  	[tilespmem:s10], [sflag:$0x7] =	stream.linear.gather [hbm4b:s30+s1], $0x4000, $0x38;
	[tilespmem:$0x18D80] =	vst v63  }
0x12e: {  	_ =	swait.ge [sflag:s11], $0x4000  }
0x12f: {  	[sflag:s11] =	ssyncset.done $0x0  }
0x130: {  	[sflag:s11] =	ssyncadd.s32 $0xFFFFC000  }
0x131: {  	v20 =	vld [tilespmem:$0x18600];
	_ =	sdelay $0x4  }
0x132: {  	v49 =	vshll.u32 v20, $0x3  }
0x133: {  	v20 =	vand.u32 $0x7, v20;
	v21 =	vand.u32 $0xFFFFFFC0, v49  }
0x134: {  	v20 =	vor.u32 v20, v21  }
0x135: {  	v21 =	vperm.xlane v20, v17;
	_ =	sdelay $0x1  }
0x136: {  	v21 =	vadd.s32 v18, v21;
	_ =	sdelay $0x3  }
0x137: {  	s2 =	simm.s32 $0x4000  }
0x138: {  	[hbm4b:s18+s1] =	stream.indirect_vreg.scatter [tilespmem:s2], [sflag:$0x9], $0x80, v21, vm0, $0xb8;
	[tilespmem:$0x18D80] =	vst v63  }
0x139: {  	s31 =	simm.s32 $0x4800;
	v20 =	vperm.xlane v20, v19  }
0x13a: {  	[hbm4b:s26+s1] =	stream.indirect_vreg.scatter [tilespmem:s31], [sflag:$0x9], $0x80, v21, vm0, $0xb8;
	[tilespmem:$0x18D80] =	vst v63  }
0x13b: {  	s3 =	simm.s32 $0x5000;
	v20 =	vadd.s32 v18, v20  }
0x13c: {  	[hbm4b:s28+s1] =	stream.indirect_vreg.scatter [tilespmem:s3], [sflag:$0x9], $0x80, v21, vm0, $0xb8;
	[tilespmem:$0x18D80] =	vst v63  }
0x13d: {  	s4 =	simm.s32 $0x5800  }
0x13e: {  	[hbm4b:s29+s1] =	stream.indirect_vreg.scatter [tilespmem:s4], [sflag:$0x9], $0x80, v21, vm0, $0xb8;
	[tilespmem:$0x18D80] =	vst v63  }
0x13f: {  	s5 =	simm.s32 $0x6000  }
0x140: {  	[hbm4b:s18+s1] =	stream.indirect_vreg.scatter [tilespmem:s5], [sflag:$0x9], $0x80, v20, vm0, $0xb8;
	[tilespmem:$0x18D80] =	vst v63  }
0x141: {  	s6 =	simm.s32 $0x6800  }
0x142: {  	[hbm4b:s26+s1] =	stream.indirect_vreg.scatter [tilespmem:s6], [sflag:$0x9], $0x80, v20, vm0, $0xb8;
	[tilespmem:$0x18D80] =	vst v63  }
0x143: {  	s12 =	simm.s32 $0x7000  }
0x144: {  	[hbm4b:s28+s1] =	stream.indirect_vreg.scatter [tilespmem:s12], [sflag:$0x9], $0x80, v20, vm0, $0xb8;
	[tilespmem:$0x18D80] =	vst v63  }
0x145: {  	s14 =	simm.s32 $0x7800  }
0x146: {  	[hbm4b:s29+s1] =	stream.indirect_vreg.scatter [tilespmem:s14], [sflag:$0x9], $0x80, v20, vm0, $0xb8;
	[tilespmem:$0x18D80] =	vst v63  }
0x147: {  	_ =	swait.ge [sflag:s20], $0x4000  }
0x148: {  	[sflag:s20] =	ssyncset.done $0x0  }
0x149: {  	s15 =	rddreg [dreg:$0x9];
	[sflag:s20] =	ssyncadd.s32 $0xFFFFC000  }
0x14a: {  	[tilespmem:s1], [sflag:$0x2] =	stream.linear.gather [hbm4b:s15+s1], $0x4000, $0x38;
	[tilespmem:$0x18D80] =	vst v63  }
0x14b: {  	_ =	swait.ge [sflag:s21], $0x4000  }
0x14c: {  	[sflag:s21] =	ssyncset.done $0x0  }
0x14d: {  	[sflag:s21] =	ssyncadd.s32 $0xFFFFC000  }
0x14e: {  	v20 =	vld [tilespmem:$0x18680];
	_ =	sdelay $0x4  }
0x14f: {  	v50 =	vshll.u32 v20, $0x3  }
0x150: {  	v20 =	vand.u32 $0x7, v20;
	v21 =	vand.u32 $0xFFFFFFC0, v50  }
0x151: {  	v20 =	vor.u32 v20, v21  }
0x152: {  	v21 =	vperm.xlane v20, v17;
	_ =	sdelay $0x1  }
0x153: {  	v21 =	vadd.s32 v18, v21;
	_ =	sdelay $0x3  }
0x154: {  	s3 =	simm.s32 $0x8000  }
0x155: {  	[hbm4b:s18+s1] =	stream.indirect_vreg.scatter [tilespmem:s3], [sflag:$0xA], $0x80, v21, vm0, $0xb8;
	[tilespmem:$0x18D80] =	vst v63  }
0x156: {  	s16 =	simm.s32 $0x8800;
	v20 =	vperm.xlane v20, v19  }
0x157: {  	[hbm4b:s26+s1] =	stream.indirect_vreg.scatter [tilespmem:s16], [sflag:$0xA], $0x80, v21, vm0, $0xb8;
	[tilespmem:$0x18D80] =	vst v63  }
0x158: {  	s30 =	simm.s32 $0x9000;
	v20 =	vadd.s32 v18, v20  }
0x159: {  	[hbm4b:s28+s1] =	stream.indirect_vreg.scatter [tilespmem:s30], [sflag:$0xA], $0x80, v21, vm0, $0xb8;
	[tilespmem:$0x18D80] =	vst v63  }
0x15a: {  	s31 =	simm.s32 $0x9800  }
0x15b: {  	[hbm4b:s29+s1] =	stream.indirect_vreg.scatter [tilespmem:s31], [sflag:$0xA], $0x80, v21, vm0, $0xb8;
	[tilespmem:$0x18D80] =	vst v63  }
0x15c: {  	s4 =	simm.s32 $0xA000  }
0x15d: {  	[hbm4b:s18+s1] =	stream.indirect_vreg.scatter [tilespmem:s4], [sflag:$0xA], $0x80, v20, vm0, $0xb8;
	[tilespmem:$0x18D80] =	vst v63  }
0x15e: {  	s5 =	simm.s32 $0xA800  }
0x15f: {  	[hbm4b:s26+s1] =	stream.indirect_vreg.scatter [tilespmem:s5], [sflag:$0xA], $0x80, v20, vm0, $0xb8;
	[tilespmem:$0x18D80] =	vst v63  }
0x160: {  	s6 =	simm.s32 $0xB000  }
0x161: {  	[hbm4b:s28+s1] =	stream.indirect_vreg.scatter [tilespmem:s6], [sflag:$0xA], $0x80, v20, vm0, $0xb8;
	[tilespmem:$0x18D80] =	vst v63  }
0x162: {  	s12 =	simm.s32 $0xB800  }
0x163: {  	[hbm4b:s29+s1] =	stream.indirect_vreg.scatter [tilespmem:s12], [sflag:$0xA], $0x80, v20, vm0, $0xb8;
	[tilespmem:$0x18D80] =	vst v63  }
0x164: {  	_ =	swait.ge [sflag:s22], $0x4000  }
0x165: {  	[sflag:s22] =	ssyncset.done $0x0  }
0x166: {  	s14 =	rddreg [dreg:$0xa];
	[sflag:s22] =	ssyncadd.s32 $0xFFFFC000  }
0x167: {  	[tilespmem:s2], [sflag:$0x3] =	stream.linear.gather [hbm4b:s14+s1], $0x4000, $0x38;
	[tilespmem:$0x18D80] =	vst v63  }
0x168: {  	_ =	swait.ge [sflag:s19], $0x4000  }
0x169: {  	[sflag:s19] =	ssyncset.done $0x0  }
0x16a: {  	[sflag:s19] =	ssyncadd.s32 $0xFFFFC000  }
0x16b: {  	v20 =	vld [tilespmem:$0x18700];
	_ =	sdelay $0x4  }
0x16c: {  	v51 =	vshll.u32 v20, $0x3  }
0x16d: {  	v20 =	vand.u32 $0x7, v20;
	v21 =	vand.u32 $0xFFFFFFC0, v51  }
0x16e: {  	v20 =	vor.u32 v20, v21  }
0x16f: {  	v21 =	vperm.xlane v20, v17;
	_ =	sdelay $0x1  }
0x170: {  	v21 =	vadd.s32 v18, v21;
	_ =	sdelay $0x3  }
0x171: {  	s4 =	simm.s32 $0xC000  }
0x172: {  	[hbm4b:s18+s1] =	stream.indirect_vreg.scatter [tilespmem:s4], [sflag:$0xB], $0x80, v21, vm0, $0xb8;
	[tilespmem:$0x18D80] =	vst v63  }
0x173: {  	s15 =	simm.s32 $0xC800;
	v20 =	vperm.xlane v20, v19  }
0x174: {  	[hbm4b:s26+s1] =	stream.indirect_vreg.scatter [tilespmem:s15], [sflag:$0xB], $0x80, v21, vm0, $0xb8;
	[tilespmem:$0x18D80] =	vst v63  }
0x175: {  	s16 =	simm.s32 $0xD000;
	v20 =	vadd.s32 v18, v20  }
0x176: {  	[hbm4b:s28+s1] =	stream.indirect_vreg.scatter [tilespmem:s16], [sflag:$0xB], $0x80, v21, vm0, $0xb8;
	[tilespmem:$0x18D80] =	vst v63  }
0x177: {  	s30 =	simm.s32 $0xD800  }
0x178: {  	[hbm4b:s29+s1] =	stream.indirect_vreg.scatter [tilespmem:s30], [sflag:$0xB], $0x80, v21, vm0, $0xb8;
	[tilespmem:$0x18D80] =	vst v63  }
0x179: {  	s31 =	simm.s32 $0xE000  }
0x17a: {  	[hbm4b:s18+s1] =	stream.indirect_vreg.scatter [tilespmem:s31], [sflag:$0xB], $0x80, v20, vm0, $0xb8;
	[tilespmem:$0x18D80] =	vst v63  }
0x17b: {  	s5 =	simm.s32 $0xE800  }
0x17c: {  	[hbm4b:s26+s1] =	stream.indirect_vreg.scatter [tilespmem:s5], [sflag:$0xB], $0x80, v20, vm0, $0xb8;
	[tilespmem:$0x18D80] =	vst v63  }
0x17d: {  	s6 =	simm.s32 $0xF000  }
0x17e: {  	[hbm4b:s28+s1] =	stream.indirect_vreg.scatter [tilespmem:s6], [sflag:$0xB], $0x80, v20, vm0, $0xb8;
	[tilespmem:$0x18D80] =	vst v63  }
0x17f: {  	s12 =	simm.s32 $0xF800;
	s5 =	simm.s32 $0xA  }
0x180: {  	[hbm4b:s29+s1] =	stream.indirect_vreg.scatter [tilespmem:s12], [sflag:$0xB], $0x80, v20, vm0, $0xb8;
	[tilespmem:$0x18D80] =	vst v63  }
0x181: {  	_ =	swait.ge [sflag:s5], $0x4000  }
0x182: {  	[sflag:s5] =	ssyncset.done $0x0  }
0x183: {  	s6 =	simm.s32 $0x6;
	s14 =	rddreg [dreg:$0xb];
	[sflag:s5] =	ssyncadd.s32 $0xFFFFC000  }
0x184: {  	[tilespmem:s3], [sflag:$0x4] =	stream.linear.gather [hbm4b:s14+s1], $0x4000, $0x38;
	[tilespmem:$0x18D80] =	vst v63  }
0x185: {  	_ =	swait.ge [sflag:s6], $0x4000  }
0x186: {  	[sflag:s6] =	ssyncset.done $0x0  }
0x187: {  	[sflag:s6] =	ssyncadd.s32 $0xFFFFC000  }
0x188: {  	v20 =	vld [tilespmem:$0x18780];
	_ =	sdelay $0x4  }
0x189: {  	v52 =	vshll.u32 v20, $0x3  }
0x18a: {  	v20 =	vand.u32 $0x7, v20;
	v21 =	vand.u32 $0xFFFFFFC0, v52  }
0x18b: {  	v20 =	vor.u32 v20, v21  }
0x18c: {  	v21 =	vperm.xlane v20, v17;
	_ =	sdelay $0x1  }
0x18d: {  	v21 =	vadd.s32 v18, v21;
	_ =	sdelay $0x3  }
0x18e: {  	s12 =	simm.s32 $0x10000  }
0x18f: {  	[hbm4b:s18+s1] =	stream.indirect_vreg.scatter [tilespmem:s12], [sflag:$0xC], $0x80, v21, vm0, $0xb8;
	[tilespmem:$0x18D80] =	vst v63  }
0x190: {  	s15 =	simm.s32 $0x10800;
	v20 =	vperm.xlane v20, v19  }
0x191: {  	[hbm4b:s26+s1] =	stream.indirect_vreg.scatter [tilespmem:s15], [sflag:$0xC], $0x80, v21, vm0, $0xb8;
	[tilespmem:$0x18D80] =	vst v63  }
0x192: {  	s16 =	simm.s32 $0x11000;
	v20 =	vadd.s32 v18, v20  }
0x193: {  	[hbm4b:s28+s1] =	stream.indirect_vreg.scatter [tilespmem:s16], [sflag:$0xC], $0x80, v21, vm0, $0xb8;
	[tilespmem:$0x18D80] =	vst v63  }
0x194: {  	s30 =	simm.s32 $0x11800  }
0x195: {  	[hbm4b:s29+s1] =	stream.indirect_vreg.scatter [tilespmem:s30], [sflag:$0xC], $0x80, v21, vm0, $0xb8;
	[tilespmem:$0x18D80] =	vst v63  }
0x196: {  	_ = 	snop  }
0x197: {  	[hbm4b:s18+s1] =	stream.indirect_vreg.scatter [tilespmem:s13], [sflag:$0xC], $0x80, v20, vm0, $0xb8;
	[tilespmem:$0x18D80] =	vst v63  }
0x198: {  	s15 =	simm.s32 $0x12800  }
0x199: {  	[hbm4b:s26+s1] =	stream.indirect_vreg.scatter [tilespmem:s15], [sflag:$0xC], $0x80, v20, vm0, $0xb8;
	[tilespmem:$0x18D80] =	vst v63  }
0x19a: {  	s16 =	simm.s32 $0x13000  }
0x19b: {  	[hbm4b:s28+s1] =	stream.indirect_vreg.scatter [tilespmem:s16], [sflag:$0xC], $0x80, v20, vm0, $0xb8;
	[tilespmem:$0x18D80] =	vst v63  }
0x19c: {  	s14 =	simm.s32 $0xB;
	s30 =	simm.s32 $0x13800  }
0x19d: {  	[hbm4b:s29+s1] =	stream.indirect_vreg.scatter [tilespmem:s30], [sflag:$0xC], $0x80, v20, vm0, $0xb8;
	[tilespmem:$0x18D80] =	vst v63  }
0x19e: {  	_ =	swait.ge [sflag:s14], $0x4000  }
0x19f: {  	[sflag:s14] =	ssyncset.done $0x0  }
0x1a0: {  	s31 =	rddreg [dreg:$0xc];
	[sflag:s14] =	ssyncadd.s32 $0xFFFFC000  }
0x1a1: {  	[tilespmem:s4], [sflag:$0x5] =	stream.linear.gather [hbm4b:s31+s1], $0x4000, $0x38;
	[tilespmem:$0x18D80] =	vst v63  }
0x1a2: {  	s31 =	simm.s32 $0x7  }
0x1a3: {  	_ =	swait.ge [sflag:s31], $0x4000  }
0x1a4: {  	[sflag:s31] =	ssyncset.done $0x0  }
0x1a5: {  	[sflag:s31] =	ssyncadd.s32 $0xFFFFC000  }
0x1a6: {  	v20 =	vld [tilespmem:$0x18800];
	_ =	sdelay $0x4  }
0x1a7: {  	v53 =	vshll.u32 v20, $0x3  }
0x1a8: {  	v20 =	vand.u32 $0x7, v20;
	v21 =	vand.u32 $0xFFFFFFC0, v53  }
0x1a9: {  	v20 =	vor.u32 v20, v21  }
0x1aa: {  	v21 =	vperm.xlane v20, v17;
	_ =	sdelay $0x1  }
0x1ab: {  	v21 =	vadd.s32 v18, v21;
	_ =	sdelay $0x4  }
0x1ac: {  	[hbm4b:s18+s1] =	stream.indirect_vreg.scatter [tilespmem:s10], [sflag:$0xD], $0x80, v21, vm0, $0xb8;
	[tilespmem:$0x18D80] =	vst v63  }
0x1ad: {  	s0 =	simm.s32 $0x14800;
	v20 =	vperm.xlane v20, v19  }
0x1ae: {  	[hbm4b:s26+s1] =	stream.indirect_vreg.scatter [tilespmem:s0], [sflag:$0xD], $0x80, v21, vm0, $0xb8;
	[tilespmem:$0x18D80] =	vst v63  }
0x1af: {  	v20 =	vadd.s32 v18, v20;
	s0 =	simm.s32 $0x15000  }
0x1b0: {  	[hbm4b:s28+s1] =	stream.indirect_vreg.scatter [tilespmem:s0], [sflag:$0xD], $0x80, v21, vm0, $0xb8;
	[tilespmem:$0x18D80] =	vst v63  }
0x1b1: {  	s0 =	simm.s32 $0x15800  }
0x1b2: {  	[hbm4b:s29+s1] =	stream.indirect_vreg.scatter [tilespmem:s0], [sflag:$0xD], $0x80, v21, vm0, $0xb8;
	[tilespmem:$0x18D80] =	vst v63  }
0x1b3: {  	s0 =	simm.s32 $0x16000  }
0x1b4: {  	[hbm4b:s18+s1] =	stream.indirect_vreg.scatter [tilespmem:s0], [sflag:$0xD], $0x80, v20, vm0, $0xb8;
	[tilespmem:$0x18D80] =	vst v63  }
0x1b5: {  	s0 =	simm.s32 $0x16800  }
0x1b6: {  	[hbm4b:s26+s1] =	stream.indirect_vreg.scatter [tilespmem:s0], [sflag:$0xD], $0x80, v20, vm0, $0xb8;
	[tilespmem:$0x18D80] =	vst v63  }
0x1b7: {  	s0 =	simm.s32 $0x17000  }
0x1b8: {  	[hbm4b:s28+s1] =	stream.indirect_vreg.scatter [tilespmem:s0], [sflag:$0xD], $0x80, v20, vm0, $0xb8;
	[tilespmem:$0x18D80] =	vst v63  }
0x1b9: {  	s0 =	simm.s32 $0x17800  }
0x1ba: {  	[hbm4b:s29+s1] =	stream.indirect_vreg.scatter [tilespmem:s0], [sflag:$0xD], $0x80, v20, vm0, $0xb8;
	[tilespmem:$0x18D80] =	vst v63  }
0x1bb: {  	_ =	swait.ge [sflag:s7], $0x4000  }
0x1bc: {  	[sflag:s7] =	ssyncset.done $0x0  }
0x1bd: {  	s0 =	rddreg [dreg:$0xd];
	[sflag:s7] =	ssyncadd.s32 $0xFFFFC000  }
0x1be: {  	[tilespmem:s12], [sflag:$0x6] =	stream.linear.gather [hbm4b:s0+s1], $0x4000, $0x38;
	[tilespmem:$0x18D80] =	vst v63  }
0x1bf: {  	_ =	swait.ge [sflag:s17], $0x4000  }
0x1c0: {  	[sflag:s17] =	ssyncset.done $0x0  }
0x1c1: {  	[sflag:s17] =	ssyncadd.s32 $0xFFFFC000  }
0x1c2: {  	v20 =	vld [tilespmem:$0x18880];
	_ =	sdelay $0x4  }
0x1c3: {  	v54 =	vshll.u32 v20, $0x3  }
0x1c4: {  	v20 =	vand.u32 $0x7, v20;
	v21 =	vand.u32 $0xFFFFFFC0, v54  }
0x1c5: {  	v20 =	vor.u32 v20, v21  }
0x1c6: {  	v21 =	vperm.xlane v20, v17;
	_ =	sdelay $0x1  }
0x1c7: {  	v21 =	vadd.s32 v18, v21;
	_ =	sdelay $0x4  }
0x1c8: {  	[hbm4b:s18+s1] =	stream.indirect_vreg.scatter [tilespmem:s1], [sflag:$0x8], $0x80, v21, vm0, $0xb8;
	[tilespmem:$0x18D80] =	vst v63  }
0x1c9: {  	s9 =	simm.s32 $0x800;
	v20 =	vperm.xlane v20, v19  }
0x1ca: {  	[hbm4b:s26+s1] =	stream.indirect_vreg.scatter [tilespmem:s9], [sflag:$0x8], $0x80, v21, vm0, $0xb8;
	[tilespmem:$0x18D80] =	vst v63  }
0x1cb: {  	v20 =	vadd.s32 v18, v20;
	s9 =	simm.s32 $0x1000  }
0x1cc: {  	[hbm4b:s28+s1] =	stream.indirect_vreg.scatter [tilespmem:s9], [sflag:$0x8], $0x80, v21, vm0, $0xb8;
	[tilespmem:$0x18D80] =	vst v63  }
0x1cd: {  	s9 =	simm.s32 $0x1800  }
0x1ce: {  	[hbm4b:s29+s1] =	stream.indirect_vreg.scatter [tilespmem:s9], [sflag:$0x8], $0x80, v21, vm0, $0xb8;
	[tilespmem:$0x18D80] =	vst v63  }
0x1cf: {  	s9 =	simm.s32 $0x2000  }
0x1d0: {  	[hbm4b:s18+s1] =	stream.indirect_vreg.scatter [tilespmem:s9], [sflag:$0x8], $0x80, v20, vm0, $0xb8;
	[tilespmem:$0x18D80] =	vst v63  }
0x1d1: {  	s9 =	simm.s32 $0x2800  }
0x1d2: {  	[hbm4b:s26+s1] =	stream.indirect_vreg.scatter [tilespmem:s9], [sflag:$0x8], $0x80, v20, vm0, $0xb8;
	[tilespmem:$0x18D80] =	vst v63  }
0x1d3: {  	s9 =	simm.s32 $0x3000  }
0x1d4: {  	[hbm4b:s28+s1] =	stream.indirect_vreg.scatter [tilespmem:s9], [sflag:$0x8], $0x80, v20, vm0, $0xb8;
	[tilespmem:$0x18D80] =	vst v63  }
0x1d5: {  	s9 =	simm.s32 $0x3800  }
0x1d6: {  	[hbm4b:s29+s1] =	stream.indirect_vreg.scatter [tilespmem:s9], [sflag:$0x8], $0x80, v20, vm0, $0xb8;
	[tilespmem:$0x18D80] =	vst v63  }
0x1d7: {  	s9 =	simm.s32 $0xD  }
0x1d8: {  	_ =	swait.ge [sflag:s9], $0x4000  }
0x1d9: {  	[sflag:s9] =	ssyncset.done $0x0  }
0x1da: {  	s0 =	rddreg [dreg:$0xe];
	[sflag:s9] =	ssyncadd.s32 $0xFFFFC000  }
0x1db: {  	[tilespmem:s10], [sflag:$0x7] =	stream.linear.gather [hbm4b:s0+s1], $0x4000, $0x38;
	[tilespmem:$0x18D80] =	vst v63  }
0x1dc: {  	_ =	swait.ge [sflag:s11], $0x4000  }
0x1dd: {  	[sflag:s11] =	ssyncset.done $0x0  }
0x1de: {  	[sflag:s11] =	ssyncadd.s32 $0xFFFFC000  }
0x1df: {  	v20 =	vld [tilespmem:$0x18900];
	_ =	sdelay $0x4  }
0x1e0: {  	v55 =	vshll.u32 v20, $0x3  }
0x1e1: {  	v20 =	vand.u32 $0x7, v20;
	v21 =	vand.u32 $0xFFFFFFC0, v55  }
0x1e2: {  	v20 =	vor.u32 v20, v21  }
0x1e3: {  	v21 =	vperm.xlane v20, v17;
	_ =	sdelay $0x1  }
0x1e4: {  	v21 =	vadd.s32 v18, v21;
	_ =	sdelay $0x4  }
0x1e5: {  	[hbm4b:s18+s1] =	stream.indirect_vreg.scatter [tilespmem:s2], [sflag:$0x9], $0x80, v21, vm0, $0xb8;
	[tilespmem:$0x18D80] =	vst v63  }
0x1e6: {  	s0 =	simm.s32 $0x4800;
	v20 =	vperm.xlane v20, v19  }
0x1e7: {  	[hbm4b:s26+s1] =	stream.indirect_vreg.scatter [tilespmem:s0], [sflag:$0x9], $0x80, v21, vm0, $0xb8;
	[tilespmem:$0x18D80] =	vst v63  }
0x1e8: {  	v20 =	vadd.s32 v18, v20;
	s0 =	simm.s32 $0x5000  }
0x1e9: {  	[hbm4b:s28+s1] =	stream.indirect_vreg.scatter [tilespmem:s0], [sflag:$0x9], $0x80, v21, vm0, $0xb8;
	[tilespmem:$0x18D80] =	vst v63  }
0x1ea: {  	s0 =	simm.s32 $0x5800  }
0x1eb: {  	[hbm4b:s29+s1] =	stream.indirect_vreg.scatter [tilespmem:s0], [sflag:$0x9], $0x80, v21, vm0, $0xb8;
	[tilespmem:$0x18D80] =	vst v63  }
0x1ec: {  	s0 =	simm.s32 $0x6000  }
0x1ed: {  	[hbm4b:s18+s1] =	stream.indirect_vreg.scatter [tilespmem:s0], [sflag:$0x9], $0x80, v20, vm0, $0xb8;
	[tilespmem:$0x18D80] =	vst v63  }
0x1ee: {  	s0 =	simm.s32 $0x6800  }
0x1ef: {  	[hbm4b:s26+s1] =	stream.indirect_vreg.scatter [tilespmem:s0], [sflag:$0x9], $0x80, v20, vm0, $0xb8;
	[tilespmem:$0x18D80] =	vst v63  }
0x1f0: {  	s0 =	simm.s32 $0x7000  }
0x1f1: {  	[hbm4b:s28+s1] =	stream.indirect_vreg.scatter [tilespmem:s0], [sflag:$0x9], $0x80, v20, vm0, $0xb8;
	[tilespmem:$0x18D80] =	vst v63  }
0x1f2: {  	s0 =	simm.s32 $0x7800  }
0x1f3: {  	[hbm4b:s29+s1] =	stream.indirect_vreg.scatter [tilespmem:s0], [sflag:$0x9], $0x80, v20, vm0, $0xb8;
	[tilespmem:$0x18D80] =	vst v63  }
0x1f4: {  	_ =	swait.ge [sflag:s20], $0x4000  }
0x1f5: {  	[sflag:s20] =	ssyncset.done $0x0  }
0x1f6: {  	s0 =	rddreg [dreg:$0xf];
	[sflag:s20] =	ssyncadd.s32 $0xFFFFC000  }
0x1f7: {  	[tilespmem:s1], [sflag:$0x2] =	stream.linear.gather [hbm4b:s0+s1], $0x4000, $0x38;
	[tilespmem:$0x18D80] =	vst v63  }
0x1f8: {  	_ =	swait.ge [sflag:s21], $0x4000  }
0x1f9: {  	[sflag:s21] =	ssyncset.done $0x0  }
0x1fa: {  	[sflag:s21] =	ssyncadd.s32 $0xFFFFC000  }
0x1fb: {  	v20 =	vld [tilespmem:$0x18980];
	_ =	sdelay $0x4  }
0x1fc: {  	v56 =	vshll.u32 v20, $0x3  }
0x1fd: {  	v20 =	vand.u32 $0x7, v20;
	v21 =	vand.u32 $0xFFFFFFC0, v56  }
0x1fe: {  	v20 =	vor.u32 v20, v21  }
0x1ff: {  	v21 =	vperm.xlane v20, v17;
	_ =	sdelay $0x1  }
0x200: {  	v21 =	vadd.s32 v18, v21;
	_ =	sdelay $0x4  }
0x201: {  	[hbm4b:s18+s1] =	stream.indirect_vreg.scatter [tilespmem:s3], [sflag:$0xA], $0x80, v21, vm0, $0xb8;
	[tilespmem:$0x18D80] =	vst v63  }
0x202: {  	s0 =	simm.s32 $0x8800;
	v20 =	vperm.xlane v20, v19  }
0x203: {  	[hbm4b:s26+s1] =	stream.indirect_vreg.scatter [tilespmem:s0], [sflag:$0xA], $0x80, v21, vm0, $0xb8;
	[tilespmem:$0x18D80] =	vst v63  }
0x204: {  	v20 =	vadd.s32 v18, v20;
	s0 =	simm.s32 $0x9000  }
0x205: {  	[hbm4b:s28+s1] =	stream.indirect_vreg.scatter [tilespmem:s0], [sflag:$0xA], $0x80, v21, vm0, $0xb8;
	[tilespmem:$0x18D80] =	vst v63  }
0x206: {  	s0 =	simm.s32 $0x9800  }
0x207: {  	[hbm4b:s29+s1] =	stream.indirect_vreg.scatter [tilespmem:s0], [sflag:$0xA], $0x80, v21, vm0, $0xb8;
	[tilespmem:$0x18D80] =	vst v63  }
0x208: {  	s0 =	simm.s32 $0xA000  }
0x209: {  	[hbm4b:s18+s1] =	stream.indirect_vreg.scatter [tilespmem:s0], [sflag:$0xA], $0x80, v20, vm0, $0xb8;
	[tilespmem:$0x18D80] =	vst v63  }
0x20a: {  	s0 =	simm.s32 $0xA800  }
0x20b: {  	[hbm4b:s26+s1] =	stream.indirect_vreg.scatter [tilespmem:s0], [sflag:$0xA], $0x80, v20, vm0, $0xb8;
	[tilespmem:$0x18D80] =	vst v63  }
0x20c: {  	s0 =	simm.s32 $0xB000  }
0x20d: {  	[hbm4b:s28+s1] =	stream.indirect_vreg.scatter [tilespmem:s0], [sflag:$0xA], $0x80, v20, vm0, $0xb8;
	[tilespmem:$0x18D80] =	vst v63  }
0x20e: {  	s0 =	simm.s32 $0xB800  }
0x20f: {  	[hbm4b:s29+s1] =	stream.indirect_vreg.scatter [tilespmem:s0], [sflag:$0xA], $0x80, v20, vm0, $0xb8;
	[tilespmem:$0x18D80] =	vst v63  }
0x210: {  	_ =	swait.ge [sflag:s22], $0x4000  }
0x211: {  	[sflag:s22] =	ssyncset.done $0x0  }
0x212: {  	s0 =	rddreg [dreg:$0x10];
	[sflag:s22] =	ssyncadd.s32 $0xFFFFC000  }
0x213: {  	[tilespmem:s2], [sflag:$0x3] =	stream.linear.gather [hbm4b:s0+s1], $0x4000, $0x38;
	[tilespmem:$0x18D80] =	vst v63  }
0x214: {  	_ =	swait.ge [sflag:s19], $0x4000  }
0x215: {  	[sflag:s19] =	ssyncset.done $0x0  }
0x216: {  	[sflag:s19] =	ssyncadd.s32 $0xFFFFC000  }
0x217: {  	v20 =	vld [tilespmem:$0x18A00];
	_ =	sdelay $0x4  }
0x218: {  	v57 =	vshll.u32 v20, $0x3  }
0x219: {  	v20 =	vand.u32 $0x7, v20;
	v21 =	vand.u32 $0xFFFFFFC0, v57  }
0x21a: {  	v20 =	vor.u32 v20, v21  }
0x21b: {  	v21 =	vperm.xlane v20, v17;
	_ =	sdelay $0x1  }
0x21c: {  	v21 =	vadd.s32 v18, v21;
	_ =	sdelay $0x4  }
0x21d: {  	[hbm4b:s18+s1] =	stream.indirect_vreg.scatter [tilespmem:s4], [sflag:$0xB], $0x80, v21, vm0, $0xb8;
	[tilespmem:$0x18D80] =	vst v63  }
0x21e: {  	s0 =	simm.s32 $0xC800;
	v20 =	vperm.xlane v20, v19  }
0x21f: {  	[hbm4b:s26+s1] =	stream.indirect_vreg.scatter [tilespmem:s0], [sflag:$0xB], $0x80, v21, vm0, $0xb8;
	[tilespmem:$0x18D80] =	vst v63  }
0x220: {  	v20 =	vadd.s32 v18, v20;
	s0 =	simm.s32 $0xD000  }
0x221: {  	[hbm4b:s28+s1] =	stream.indirect_vreg.scatter [tilespmem:s0], [sflag:$0xB], $0x80, v21, vm0, $0xb8;
	[tilespmem:$0x18D80] =	vst v63  }
0x222: {  	s0 =	simm.s32 $0xD800  }
0x223: {  	[hbm4b:s29+s1] =	stream.indirect_vreg.scatter [tilespmem:s0], [sflag:$0xB], $0x80, v21, vm0, $0xb8;
	[tilespmem:$0x18D80] =	vst v63  }
0x224: {  	s0 =	simm.s32 $0xE000  }
0x225: {  	[hbm4b:s18+s1] =	stream.indirect_vreg.scatter [tilespmem:s0], [sflag:$0xB], $0x80, v20, vm0, $0xb8;
	[tilespmem:$0x18D80] =	vst v63  }
0x226: {  	s0 =	simm.s32 $0xE800  }
0x227: {  	[hbm4b:s26+s1] =	stream.indirect_vreg.scatter [tilespmem:s0], [sflag:$0xB], $0x80, v20, vm0, $0xb8;
	[tilespmem:$0x18D80] =	vst v63  }
0x228: {  	s0 =	simm.s32 $0xF000  }
0x229: {  	[hbm4b:s28+s1] =	stream.indirect_vreg.scatter [tilespmem:s0], [sflag:$0xB], $0x80, v20, vm0, $0xb8;
	[tilespmem:$0x18D80] =	vst v63  }
0x22a: {  	s0 =	simm.s32 $0xF800  }
0x22b: {  	[hbm4b:s29+s1] =	stream.indirect_vreg.scatter [tilespmem:s0], [sflag:$0xB], $0x80, v20, vm0, $0xb8;
	[tilespmem:$0x18D80] =	vst v63  }
0x22c: {  	_ =	swait.ge [sflag:s5], $0x4000  }
0x22d: {  	[sflag:s5] =	ssyncset.done $0x0  }
0x22e: {  	s0 =	rddreg [dreg:$0x11];
	[sflag:s5] =	ssyncadd.s32 $0xFFFFC000  }
0x22f: {  	[tilespmem:s3], [sflag:$0x4] =	stream.linear.gather [hbm4b:s0+s1], $0x4000, $0x38;
	[tilespmem:$0x18D80] =	vst v63  }
0x230: {  	_ =	swait.ge [sflag:s6], $0x4000  }
0x231: {  	[sflag:s6] =	ssyncset.done $0x0  }
0x232: {  	[sflag:s6] =	ssyncadd.s32 $0xFFFFC000  }
0x233: {  	v20 =	vld [tilespmem:$0x18A80];
	_ =	sdelay $0x4  }
0x234: {  	v58 =	vshll.u32 v20, $0x3  }
0x235: {  	v20 =	vand.u32 $0x7, v20;
	v21 =	vand.u32 $0xFFFFFFC0, v58  }
0x236: {  	v20 =	vor.u32 v20, v21  }
0x237: {  	v21 =	vperm.xlane v20, v17;
	_ =	sdelay $0x1  }
0x238: {  	v21 =	vadd.s32 v18, v21;
	_ =	sdelay $0x4  }
0x239: {  	[hbm4b:s18+s1] =	stream.indirect_vreg.scatter [tilespmem:s12], [sflag:$0xC], $0x80, v21, vm0, $0xb8;
	[tilespmem:$0x18D80] =	vst v63  }
0x23a: {  	s6 =	simm.s32 $0x10800;
	v20 =	vperm.xlane v20, v19  }
0x23b: {  	[hbm4b:s26+s1] =	stream.indirect_vreg.scatter [tilespmem:s6], [sflag:$0xC], $0x80, v21, vm0, $0xb8;
	[tilespmem:$0x18D80] =	vst v63  }
0x23c: {  	v20 =	vadd.s32 v18, v20;
	s6 =	simm.s32 $0x11000  }
0x23d: {  	[hbm4b:s28+s1] =	stream.indirect_vreg.scatter [tilespmem:s6], [sflag:$0xC], $0x80, v21, vm0, $0xb8;
	[tilespmem:$0x18D80] =	vst v63  }
0x23e: {  	s6 =	simm.s32 $0x11800  }
0x23f: {  	[hbm4b:s29+s1] =	stream.indirect_vreg.scatter [tilespmem:s6], [sflag:$0xC], $0x80, v21, vm0, $0xb8;
	[tilespmem:$0x18D80] =	vst v63  }
0x240: {  	_ = 	snop  }
0x241: {  	[hbm4b:s18+s1] =	stream.indirect_vreg.scatter [tilespmem:s13], [sflag:$0xC], $0x80, v20, vm0, $0xb8;
	[tilespmem:$0x18D80] =	vst v63  }
0x242: {  	_ = 	snop  }
0x243: {  	[hbm4b:s26+s1] =	stream.indirect_vreg.scatter [tilespmem:s15], [sflag:$0xC], $0x80, v20, vm0, $0xb8;
	[tilespmem:$0x18D80] =	vst v63  }
0x244: {  	_ = 	snop  }
0x245: {  	[hbm4b:s28+s1] =	stream.indirect_vreg.scatter [tilespmem:s16], [sflag:$0xC], $0x80, v20, vm0, $0xb8;
	[tilespmem:$0x18D80] =	vst v63  }
0x246: {  	_ = 	snop  }
0x247: {  	[hbm4b:s29+s1] =	stream.indirect_vreg.scatter [tilespmem:s30], [sflag:$0xC], $0x80, v20, vm0, $0xb8;
	[tilespmem:$0x18D80] =	vst v63  }
0x248: {  	_ =	swait.ge [sflag:s14], $0x4000  }
0x249: {  	[sflag:s14] =	ssyncset.done $0x0  }
0x24a: {  	s30 =	rddreg [dreg:$0x12];
	[sflag:s14] =	ssyncadd.s32 $0xFFFFC000  }
0x24b: {  	[tilespmem:s4], [sflag:$0x5] =	stream.linear.gather [hbm4b:s30+s1], $0x4000, $0x38;
	[tilespmem:$0x18D80] =	vst v63  }
0x24c: {  	_ =	swait.ge [sflag:s31], $0x4000  }
0x24d: {  	[sflag:s31] =	ssyncset.done $0x0  }
0x24e: {  	[sflag:s31] =	ssyncadd.s32 $0xFFFFC000  }
0x24f: {  	v20 =	vld [tilespmem:$0x18B00];
	_ =	sdelay $0x4  }
0x250: {  	v59 =	vshll.u32 v20, $0x3  }
0x251: {  	v20 =	vand.u32 $0x7, v20;
	v21 =	vand.u32 $0xFFFFFFC0, v59  }
0x252: {  	v20 =	vor.u32 v20, v21  }
0x253: {  	v21 =	vperm.xlane v20, v17;
	_ =	sdelay $0x1  }
0x254: {  	v21 =	vadd.s32 v18, v21;
	_ =	sdelay $0x4  }
0x255: {  	[hbm4b:s18+s1] =	stream.indirect_vreg.scatter [tilespmem:s10], [sflag:$0xD], $0x80, v21, vm0, $0xb8;
	[tilespmem:$0x18D80] =	vst v63  }
0x256: {  	s6 =	simm.s32 $0x14800;
	v20 =	vperm.xlane v20, v19  }
0x257: {  	[hbm4b:s26+s1] =	stream.indirect_vreg.scatter [tilespmem:s6], [sflag:$0xD], $0x80, v21, vm0, $0xb8;
	[tilespmem:$0x18D80] =	vst v63  }
0x258: {  	s15 =	simm.s32 $0x15000;
	v20 =	vadd.s32 v18, v20  }
0x259: {  	[hbm4b:s28+s1] =	stream.indirect_vreg.scatter [tilespmem:s15], [sflag:$0xD], $0x80, v21, vm0, $0xb8;
	[tilespmem:$0x18D80] =	vst v63  }
0x25a: {  	s16 =	simm.s32 $0x15800  }
0x25b: {  	[hbm4b:s29+s1] =	stream.indirect_vreg.scatter [tilespmem:s16], [sflag:$0xD], $0x80, v21, vm0, $0xb8;
	[tilespmem:$0x18D80] =	vst v63  }
0x25c: {  	s30 =	simm.s32 $0x16000  }
0x25d: {  	[hbm4b:s18+s1] =	stream.indirect_vreg.scatter [tilespmem:s30], [sflag:$0xD], $0x80, v20, vm0, $0xb8;
	[tilespmem:$0x18D80] =	vst v63  }
0x25e: {  	s31 =	simm.s32 $0x16800  }
0x25f: {  	[hbm4b:s26+s1] =	stream.indirect_vreg.scatter [tilespmem:s31], [sflag:$0xD], $0x80, v20, vm0, $0xb8;
	[tilespmem:$0x18D80] =	vst v63  }
0x260: {  	s6 =	simm.s32 $0x17000  }
0x261: {  	[hbm4b:s28+s1] =	stream.indirect_vreg.scatter [tilespmem:s6], [sflag:$0xD], $0x80, v20, vm0, $0xb8;
	[tilespmem:$0x18D80] =	vst v63  }
0x262: {  	s15 =	simm.s32 $0x17800  }
0x263: {  	[hbm4b:s29+s1] =	stream.indirect_vreg.scatter [tilespmem:s15], [sflag:$0xD], $0x80, v20, vm0, $0xb8;
	[tilespmem:$0x18D80] =	vst v63  }
0x264: {  	_ =	swait.ge [sflag:s17], $0x4000  }
0x265: {  	[sflag:s17] =	ssyncset.done $0x0  }
0x266: {  	[sflag:s17] =	ssyncadd.s32 $0xFFFFC000  }
0x267: {  	v20 =	vld [tilespmem:$0x18B80];
	_ =	sdelay $0x4  }
0x268: {  	v60 =	vshll.u32 v20, $0x3  }
0x269: {  	v20 =	vand.u32 $0x7, v20;
	v21 =	vand.u32 $0xFFFFFFC0, v60  }
0x26a: {  	v20 =	vor.u32 v20, v21  }
0x26b: {  	v21 =	vperm.xlane v20, v17;
	_ =	sdelay $0x1  }
0x26c: {  	v21 =	vadd.s32 v18, v21;
	_ =	sdelay $0x4  }
0x26d: {  	[hbm4b:s18+s1] =	stream.indirect_vreg.scatter [tilespmem:s1], [sflag:$0x8], $0x80, v21, vm0, $0xb8;
	[tilespmem:$0x18D80] =	vst v63  }
0x26e: {  	s16 =	simm.s32 $0x800;
	v20 =	vperm.xlane v20, v19  }
0x26f: {  	[hbm4b:s26+s1] =	stream.indirect_vreg.scatter [tilespmem:s16], [sflag:$0x8], $0x80, v21, vm0, $0xb8;
	[tilespmem:$0x18D80] =	vst v63  }
0x270: {  	s30 =	simm.s32 $0x1000;
	v20 =	vadd.s32 v18, v20  }
0x271: {  	[hbm4b:s28+s1] =	stream.indirect_vreg.scatter [tilespmem:s30], [sflag:$0x8], $0x80, v21, vm0, $0xb8;
	[tilespmem:$0x18D80] =	vst v63  }
0x272: {  	s31 =	simm.s32 $0x1800  }
0x273: {  	[hbm4b:s29+s1] =	stream.indirect_vreg.scatter [tilespmem:s31], [sflag:$0x8], $0x80, v21, vm0, $0xb8;
	[tilespmem:$0x18D80] =	vst v63  }
0x274: {  	s6 =	simm.s32 $0x2000  }
0x275: {  	[hbm4b:s18+s1] =	stream.indirect_vreg.scatter [tilespmem:s6], [sflag:$0x8], $0x80, v20, vm0, $0xb8;
	[tilespmem:$0x18D80] =	vst v63  }
0x276: {  	s15 =	simm.s32 $0x2800  }
0x277: {  	[hbm4b:s26+s1] =	stream.indirect_vreg.scatter [tilespmem:s15], [sflag:$0x8], $0x80, v20, vm0, $0xb8;
	[tilespmem:$0x18D80] =	vst v63  }
0x278: {  	s16 =	simm.s32 $0x3000  }
0x279: {  	[hbm4b:s28+s1] =	stream.indirect_vreg.scatter [tilespmem:s16], [sflag:$0x8], $0x80, v20, vm0, $0xb8;
	[tilespmem:$0x18D80] =	vst v63  }
0x27a: {  	s30 =	simm.s32 $0x3800  }
0x27b: {  	[hbm4b:s29+s1] =	stream.indirect_vreg.scatter [tilespmem:s30], [sflag:$0x8], $0x80, v20, vm0, $0xb8;
	[tilespmem:$0x18D80] =	vst v63  }
0x27c: {  	_ =	swait.ge [sflag:s11], $0x4000  }
0x27d: {  	[sflag:s11] =	ssyncset.done $0x0  }
0x27e: {  	[sflag:s11] =	ssyncadd.s32 $0xFFFFC000  }
0x27f: {  	v20 =	vld [tilespmem:$0x18C00];
	_ =	sdelay $0x4  }
0x280: {  	v61 =	vshll.u32 v20, $0x3  }
0x281: {  	v20 =	vand.u32 $0x7, v20;
	v21 =	vand.u32 $0xFFFFFFC0, v61  }
0x282: {  	v20 =	vor.u32 v20, v21  }
0x283: {  	v21 =	vperm.xlane v20, v17;
	_ =	sdelay $0x1  }
0x284: {  	v21 =	vadd.s32 v18, v21;
	_ =	sdelay $0x4  }
0x285: {  	[hbm4b:s18+s1] =	stream.indirect_vreg.scatter [tilespmem:s2], [sflag:$0x9], $0x80, v21, vm0, $0xb8;
	[tilespmem:$0x18D80] =	vst v63  }
0x286: {  	s31 =	simm.s32 $0x4800;
	v20 =	vperm.xlane v20, v19  }
0x287: {  	[hbm4b:s26+s1] =	stream.indirect_vreg.scatter [tilespmem:s31], [sflag:$0x9], $0x80, v21, vm0, $0xb8;
	[tilespmem:$0x18D80] =	vst v63  }
0x288: {  	s6 =	simm.s32 $0x5000;
	v20 =	vadd.s32 v18, v20  }
0x289: {  	[hbm4b:s28+s1] =	stream.indirect_vreg.scatter [tilespmem:s6], [sflag:$0x9], $0x80, v21, vm0, $0xb8;
	[tilespmem:$0x18D80] =	vst v63  }
0x28a: {  	s15 =	simm.s32 $0x5800  }
0x28b: {  	[hbm4b:s29+s1] =	stream.indirect_vreg.scatter [tilespmem:s15], [sflag:$0x9], $0x80, v21, vm0, $0xb8;
	[tilespmem:$0x18D80] =	vst v63  }
0x28c: {  	s16 =	simm.s32 $0x6000  }
0x28d: {  	[hbm4b:s18+s1] =	stream.indirect_vreg.scatter [tilespmem:s16], [sflag:$0x9], $0x80, v20, vm0, $0xb8;
	[tilespmem:$0x18D80] =	vst v63  }
0x28e: {  	s30 =	simm.s32 $0x6800  }
0x28f: {  	[hbm4b:s26+s1] =	stream.indirect_vreg.scatter [tilespmem:s30], [sflag:$0x9], $0x80, v20, vm0, $0xb8;
	[tilespmem:$0x18D80] =	vst v63  }
0x290: {  	s31 =	simm.s32 $0x7000  }
0x291: {  	[hbm4b:s28+s1] =	stream.indirect_vreg.scatter [tilespmem:s31], [sflag:$0x9], $0x80, v20, vm0, $0xb8;
	[tilespmem:$0x18D80] =	vst v63  }
0x292: {  	s6 =	simm.s32 $0x7800  }
0x293: {  	[hbm4b:s29+s1] =	stream.indirect_vreg.scatter [tilespmem:s6], [sflag:$0x9], $0x80, v20, vm0, $0xb8;
	[tilespmem:$0x18D80] =	vst v63  }
0x294: {  	_ =	swait.ge [sflag:s21], $0x4000  }
0x295: {  	[sflag:s21] =	ssyncset.done $0x0  }
0x296: {  	[sflag:s21] =	ssyncadd.s32 $0xFFFFC000  }
0x297: {  	v20 =	vld [tilespmem:$0x18C80];
	_ =	sdelay $0x4  }
0x298: {  	v62 =	vshll.u32 v20, $0x3  }
0x299: {  	v20 =	vand.u32 $0x7, v20;
	v21 =	vand.u32 $0xFFFFFFC0, v62  }
0x29a: {  	v20 =	vor.u32 v20, v21  }
0x29b: {  	v21 =	vperm.xlane v20, v17;
	_ =	sdelay $0x1  }
0x29c: {  	v21 =	vadd.s32 v18, v21;
	_ =	sdelay $0x4  }
0x29d: {  	[hbm4b:s18+s1] =	stream.indirect_vreg.scatter [tilespmem:s3], [sflag:$0xA], $0x80, v21, vm0, $0xb8;
	[tilespmem:$0x18D80] =	vst v63  }
0x29e: {  	s15 =	simm.s32 $0x8800;
	v20 =	vperm.xlane v20, v19  }
0x29f: {  	[hbm4b:s26+s1] =	stream.indirect_vreg.scatter [tilespmem:s15], [sflag:$0xA], $0x80, v21, vm0, $0xb8;
	[tilespmem:$0x18D80] =	vst v63  }
0x2a0: {  	s16 =	simm.s32 $0x9000;
	v20 =	vadd.s32 v18, v20  }
0x2a1: {  	[hbm4b:s28+s1] =	stream.indirect_vreg.scatter [tilespmem:s16], [sflag:$0xA], $0x80, v21, vm0, $0xb8;
	[tilespmem:$0x18D80] =	vst v63  }
0x2a2: {  	s30 =	simm.s32 $0x9800  }
0x2a3: {  	[hbm4b:s29+s1] =	stream.indirect_vreg.scatter [tilespmem:s30], [sflag:$0xA], $0x80, v21, vm0, $0xb8;
	[tilespmem:$0x18D80] =	vst v63  }
0x2a4: {  	s31 =	simm.s32 $0xA000  }
0x2a5: {  	[hbm4b:s18+s1] =	stream.indirect_vreg.scatter [tilespmem:s31], [sflag:$0xA], $0x80, v20, vm0, $0xb8;
	[tilespmem:$0x18D80] =	vst v63  }
0x2a6: {  	s6 =	simm.s32 $0xA800  }
0x2a7: {  	[hbm4b:s26+s1] =	stream.indirect_vreg.scatter [tilespmem:s6], [sflag:$0xA], $0x80, v20, vm0, $0xb8;
	[tilespmem:$0x18D80] =	vst v63  }
0x2a8: {  	s15 =	simm.s32 $0xB000  }
0x2a9: {  	[hbm4b:s28+s1] =	stream.indirect_vreg.scatter [tilespmem:s15], [sflag:$0xA], $0x80, v20, vm0, $0xb8;
	[tilespmem:$0x18D80] =	vst v63  }
0x2aa: {  	s16 =	simm.s32 $0xB800  }
0x2ab: {  	[hbm4b:s29+s1] =	stream.indirect_vreg.scatter [tilespmem:s16], [sflag:$0xA], $0x80, v20, vm0, $0xb8;
	[tilespmem:$0x18D80] =	vst v63  }
0x2ac: {  	_ =	swait.ge [sflag:s19], $0x4000  }
0x2ad: {  	[sflag:s19] =	ssyncset.done $0x0  }
0x2ae: {  	[sflag:s19] =	ssyncadd.s32 $0xFFFFC000  }
0x2af: {  	v20 =	vld [tilespmem:$0x18D00];
	_ =	sdelay $0x4  }
0x2b0: {  	v63 =	vshll.u32 v20, $0x3  }
0x2b1: {  	v20 =	vand.u32 $0x7, v20;
	v21 =	vand.u32 $0xFFFFFFC0, v63  }
0x2b2: {  	v20 =	vor.u32 v20, v21  }
0x2b3: {  	v21 =	vperm.xlane v20, v17;
	_ =	sdelay $0x1  }
0x2b4: {  	v21 =	vadd.s32 v18, v21;
	_ =	sdelay $0x4  }
0x2b5: {  	[hbm4b:s18+s1] =	stream.indirect_vreg.scatter [tilespmem:s4], [sflag:$0xB], $0x80, v21, vm0, $0xb8;
	[tilespmem:$0x18D80] =	vst v63  }
0x2b6: {  	s30 =	simm.s32 $0xC800;
	v20 =	vperm.xlane v20, v19  }
0x2b7: {  	[hbm4b:s26+s1] =	stream.indirect_vreg.scatter [tilespmem:s30], [sflag:$0xB], $0x80, v21, vm0, $0xb8;
	[tilespmem:$0x18D80] =	vst v63  }
0x2b8: {  	s31 =	simm.s32 $0xD000;
	v20 =	vadd.s32 v18, v20  }
0x2b9: {  	[hbm4b:s28+s1] =	stream.indirect_vreg.scatter [tilespmem:s31], [sflag:$0xB], $0x80, v21, vm0, $0xb8;
	[tilespmem:$0x18D80] =	vst v63  }
0x2ba: {  	s6 =	simm.s32 $0xD800  }
0x2bb: {  	[hbm4b:s29+s1] =	stream.indirect_vreg.scatter [tilespmem:s6], [sflag:$0xB], $0x80, v21, vm0, $0xb8;
	[tilespmem:$0x18D80] =	vst v63  }
0x2bc: {  	s15 =	simm.s32 $0xE000  }
0x2bd: {  	[hbm4b:s18+s1] =	stream.indirect_vreg.scatter [tilespmem:s15], [sflag:$0xB], $0x80, v20, vm0, $0xb8;
	[tilespmem:$0x18D80] =	vst v63  }
0x2be: {  	s16 =	simm.s32 $0xE800  }
0x2bf: {  	[hbm4b:s26+s1] =	stream.indirect_vreg.scatter [tilespmem:s16], [sflag:$0xB], $0x80, v20, vm0, $0xb8;
	[tilespmem:$0x18D80] =	vst v63  }
0x2c0: {  	s30 =	simm.s32 $0xF000  }
0x2c1: {  	[hbm4b:s28+s1] =	stream.indirect_vreg.scatter [tilespmem:s30], [sflag:$0xB], $0x80, v20, vm0, $0xb8;
	[tilespmem:$0x18D80] =	vst v63  }
0x2c2: {  	s31 =	simm.s32 $0xF800  }
0x2c3: {  	[hbm4b:s29+s1] =	stream.indirect_vreg.scatter [tilespmem:s31], [sflag:$0xB], $0x80, v20, vm0, $0xb8;
	[tilespmem:$0x18D80] =	vst v63  }
0x2c4: {  	_ =	swait.ge [sflag:s20], $0x4000  }
0x2c5: {  	[sflag:s20] =	ssyncset.done $0x0  }
0x2c6: {  	[sflag:s20] =	ssyncadd.s32 $0xFFFFC000  }
0x2c7: {  	_ =	swait.ge [sflag:s22], $0x4000  }
0x2c8: {  	[sflag:s22] =	ssyncset.done $0x0  }
0x2c9: {  	[sflag:s22] =	ssyncadd.s32 $0xFFFFC000  }
0x2ca: {  	_ =	swait.ge [sflag:s5], $0x4000  }
0x2cb: {  	[sflag:s5] =	ssyncset.done $0x0  }
0x2cc: {  	[sflag:s5] =	ssyncadd.s32 $0xFFFFC000  }
0x2cd: {  	_ =	swait.ge [sflag:s14], $0x4000  }
0x2ce: {  	[sflag:s14] =	ssyncset.done $0x0  }
0x2cf: {  	[sflag:s14] =	ssyncadd.s32 $0xFFFFC000  }
0x2d0: {  	_ =	swait.ge [sflag:s7], $0x4000  }
0x2d1: {  	[sflag:s7] =	ssyncset.done $0x0  }
0x2d2: {  	[sflag:s7] =	ssyncadd.s32 $0xFFFFC000  }
0x2d3: {  	_ =	swait.ge [sflag:s9], $0x4000  }
0x2d4: {  	[sflag:s9] =	ssyncset.done $0x0  }
0x2d5: {  	[sflag:s9] =	ssyncadd.s32 $0xFFFFC000  }
0x2d6: {  	_ =	swait.ge [sflag:s8], $0x4000  }
0x2d7: {  	s0 =	simm.s32 $0x2F;
	[sflag:s8] =	ssyncset.done $0x0  }
.LBB2_20:
0x2d8: {  	p0 =	sne.s32 s0, $0x1;
	s0 =	sadd.s32 $0xFFFFFFFF, s0;
	[sflag:s8] =	ssyncadd.s32 $0xFFFFC000  }
.Ltmp9:
0x2d9: {  	(pc) =	sbr.rel @p0 .LBB2_20-.Ltmp9, $3  }
0x2da: {  	_ =	sdelay $0x1  }
0x2db: {  	_ =	swait.ge [sflag:s8], $0x4000  }
0x2dc: {  	[sflag:s8] =	ssyncset.done $0x0  }
0x2dd: {  	s5 =	rddreg [dreg:$0x1a]  }
0x2de: {  	s0 =	rddreg [dreg:$0x14];
	s5 =	sadd.s32 $0x1, s5  }
0x2df: {  	p0 =	sne.s32 s5, s0  }
.Ltmp10:
0x2e0: {  	_ = 	snop;
	(pc) =	sbr.rel @p0 .LBB2_1-.Ltmp10, $2  }
0x2e1: {  	_ =	sdelay $0x2  }
0x2e2: {  	[sflag:s8] =	ssyncadd.s32 $0xFFFFC000;
	s6 =	rddreg [dreg:$0x19]  }
0x2e3: {  	_ =	sfence.sel $0x180000  }
0x2e4: {  	[bflag:$0x0] =	sbarrier.arrive $0xFFFF  }
0x2e5: {  	_ =	strace $0x90000047  }
0x2e6: {  	s0 =	stileid.u32;
	[bflag:$0x2] =	sbarrier.arrive $0xFFFF  }
0x2e7: {  	p0 =	sne.s32 s0, $0x0;
	s0 =	rddreg [dreg:$0x2]  }
0x2e8: {  	s0 =	sadd.s32 @!p0 $0x100000, s0  }
0x2e9: {  	[sflag:s0] =	ssyncadd.tile.s32 @!p0 $0x1;
	_ =	shalt  }
.Lfunc_end2:
_tile_overlayer_lowered:
.L_overlay_start_2:
0x2ea: {  	(tag) =	ssettag $0x2  }
0x2eb: {  	s0 =	rddreg [dreg:$0x0];
	s2 =	stileid.u32  }
0x2ec: {  	s1 =	rddreg [dreg:$0x1];
	p0 =	sne.s32 s2, $0x0  }
0x2ed: {  	s3 =	rddreg [dreg:$0x2];
	[bflag:$0x3] =	sbarrier.arrive $0xFFFF;
	s2 =	simm.s32 @!p0 $0x1C0E  }
0x2ee: {  	[timem:s3], [sflag:s2] =	dma.local @!p0 [hbm:s0], s1  }
0x2ef: {  	s0 =	simm.s32 @!p0 $0xE  }
0x2f0: {  	_ =	swait.ge @!p0 [sflag:s0], s1  }
0x2f1: {  	s1 =	ssub.s32 @!p0 $0x0, s1;
	[sflag:s0] =	ssyncset.done @!p0 $0x0  }
0x2f2: {  	[sflag:s0] =	ssyncadd.s32 @!p0 s1  }
0x2f3: {  	[bflag:$0x3] =	sbarrier.arrive $0xFFFF  }
0x2f4: {  	_ =	shalt  }

</sc_bundles>
